<compile_context>
chip_gen: v7x
topology: tpu7x:2x2x1
jax: 0.10.2.dev20260603
libtpu: 0.0.44.dev20260713+nightly
codegen_flags: <defaults>
</compile_context>

<pallas_src>
import functools
import jax
import jax.numpy as jnp
from jax import lax
from jax.experimental import pallas as pl
from jax.experimental.pallas import tpu as pltpu
from jax.experimental.pallas import tpu_sc as plsc

NC, NS = 2, 16
NW = NC * NS
LANES = 16
NBUF = 4
C1 = 128


def _build(V, D, N, S, B):
    n_per_w = N // NW
    seqs_per_w = B // NW
    n_groups = seqs_per_w // NBUF
    C2 = S - C1
    mesh = plsc.VectorSubcoreMesh(core_axis_name="c", subcore_axis_name="s")

    @functools.partial(
        pl.kernel,
        out_type=jax.ShapeDtypeStruct((B, S, D), jnp.float32),
        mesh=mesh,
        compiler_params=pltpu.CompilerParams(use_tc_tiling_on_sc=False),
        scratch_types=[
            pltpu.VMEM((n_per_w,), jnp.int32),
            pltpu.VMEM((S * D,), jnp.float32),
            pltpu.VMEM((NBUF, S, D), jnp.float32),
            pltpu.SemaphoreType.DMA((NBUF,)),
            pltpu.SemaphoreType.DMA((NBUF,)),
        ],
    )
    def emb(idx_hbm, table_hbm, pos_hbm, out_hbm, idx_v, pos_v, rows_v,
            gsem, osem):
        wid = lax.axis_index("s") * NC + lax.axis_index("c")
        base = wid * n_per_w
        seq0 = wid * seqs_per_w
        pltpu.sync_copy(idx_hbm.at[pl.ds(base, n_per_w)], idx_v)
        pltpu.sync_copy(pos_hbm, pos_v)

        def gathers(s_loc, b):
            h1 = pltpu.async_copy(
                table_hbm.at[idx_v.at[pl.ds(s_loc * S, C1)]],
                rows_v.at[b, pl.ds(0, C1), :], gsem.at[b])
            h2 = pltpu.async_copy(
                table_hbm.at[idx_v.at[pl.ds(s_loc * S + C1, C2)]],
                rows_v.at[b, pl.ds(C1, C2), :], gsem.at[b])
            return h1, h2

        def add_pos(b):
            def row_body(j, _):
                for k in range(D // LANES):
                    plsc.addupdate(
                        rows_v.at[b, j, pl.ds(k * LANES, LANES)],
                        pos_v[pl.ds(j * D + k * LANES, LANES)],
                    )
                return _

            lax.fori_loop(0, S, row_body, 0)

        def group_body(cg, _):
            s0 = cg * NBUF
            handles = []
            for b in range(NBUF):
                @pl.when(cg > 0)
                def _drain(b=b):
                    pltpu.make_async_copy(
                        rows_v.at[b], out_hbm.at[seq0], osem.at[b]).wait()
                handles.append(gathers(s0 + b, b))
            for b in range(NBUF):
                handles[b][0].wait()
                handles[b][1].wait()
                add_pos(b)
                pltpu.async_copy(rows_v.at[b], out_hbm.at[seq0 + s0 + b],
                                 osem.at[b])
            return _

        lax.fori_loop(0, n_groups, group_body, 0)
        for b in range(NBUF):
            pltpu.make_async_copy(
                rows_v.at[b], out_hbm.at[seq0], osem.at[b]).wait()

    return emb


def kernel(x, token_table, pos_embedding):
    B, S = x.shape
    V, D = token_table.shape
    N = B * S
    idx = x.reshape(N).astype(jnp.int32)
    pos = pos_embedding.reshape(S * D).astype(jnp.float32)
    emb = _build(V, D, N, S, B)
    return emb(idx, token_table, pos)

# --- scband reference (transcript-rebuilt; emitter-appended) ---
"""Pipeline reference for scband-clipembedding-71116068487547 (READ-ONLY COPY).

The authoritative reference and input builder live on the scoring server;
editing this copy changes nothing except your own understanding.
"""

import jax, jax.numpy as jnp
import numpy as np

VOCAB = 1000000
D_EMBED = 64
SEQ_LEN = 200
BATCH = 1024

def setup_inputs(seed: int = 0) -> dict:
    key = jax.random.key(seed)
    k1, k2, k3 = jax.random.split(key, 3)
    x = jax.random.randint(k1, (BATCH, SEQ_LEN), 0, VOCAB, dtype=jnp.int64 if jax.config.jax_enable_x64 else jnp.int32)
    token_table = jax.random.normal(k2, (VOCAB, D_EMBED), dtype=jnp.float32) * 0.02
    pos_embedding = jnp.zeros((SEQ_LEN, D_EMBED), dtype=jnp.float32)
    return {"x": x, "token_table": token_table, "pos_embedding": pos_embedding}

def reference(x, token_table, pos_embedding):
    # token embedding lookup (gather) + broadcast position embedding add
    emb = jnp.take(token_table, x, axis=0)  # [B, S, D]
    out = emb + pos_embedding[None, :, :]
    return out

if __name__ == "__main__":
    import jax
    _d = setup_inputs()
    print(jax.jit(kernel)(*tuple(_d.values())))

</pallas_src>

<mosaic_0001>
#map = affine_map<(d0, d1) -> (0)>
#map1 = affine_map<(d0, d1) -> (0, 0)>
#map2 = affine_map<(d0, d1) -> (0, 0, 0)>
module attributes {stable_mosaic.version = 14 : i64} {
  func.func @emb(%arg0: i32, %arg1: i32, %arg2: memref<204800xi32, #tpu.memory_space<hbm>>, %arg3: memref<1000000x64xf32, #tpu.memory_space<hbm>>, %arg4: memref<12800xf32, #tpu.memory_space<hbm>>, %arg5: memref<1024x200x64xf32, #tpu.memory_space<hbm>>, %arg6: memref<6400xi32, #tpu.memory_space<vmem>>, %arg7: memref<12800xf32, #tpu.memory_space<vmem>>, %arg8: memref<4x200x64xf32, #tpu.memory_space<vmem>>, %arg9: memref<4x!tpu.dma_semaphore, #tpu.memory_space<semaphore_mem>>, %arg10: memref<4x!tpu.dma_semaphore, #tpu.memory_space<semaphore_mem>>) attributes {dimension_semantics = [#tpu.dimension_semantics<core_parallel>, #tpu.dimension_semantics<subcore_parallel>], iteration_bounds = array<i64: 2, 16>, scalar_prefetch = 0 : i64, scratch_operands = 5 : i64, tpu.core_type = #tpu.core_type<sc_vector_subcore>, window_params = [{transform_indices = #map}, {transform_indices = #map1}, {transform_indices = #map}, {transform_indices = #map2}]} {
    %mul3A = arith.constant 2 : i32
    %mul3A_0 = arith.muli %arg1, %mul3A : i32
    %add3A = arith.addi %mul3A_0, %arg0 : i32
    %mul3A_1 = arith.constant 6400 : i32
    %mul3A_2 = arith.muli %add3A, %mul3A_1 : i32
    %mul3A_3 = arith.constant 32 : i32
    %mul3A_4 = arith.muli %add3A, %mul3A_3 : i32
    "tpu.region"() ({
      %run_scoped3A = tpu.sem_alloc : memref<!tpu.dma_semaphore, #tpu.memory_space<semaphore_mem>>
      %dma_start3A = tpu.memref_slice %arg2[%mul3A_2] : memref<204800xi32, #tpu.memory_space<hbm>> -> memref<6400xi32, #tpu.memory_space<hbm>>
      %dma_start3A_89 = tpu.memref_slice %arg2[%mul3A_2] : memref<204800xi32, #tpu.memory_space<hbm>> -> memref<6400xi32, #tpu.memory_space<hbm>>
      tpu.enqueue_dma source(%dma_start3A_89 : memref<6400xi32, #tpu.memory_space<hbm>>) target(%arg6 : memref<6400xi32, #tpu.memory_space<vmem>>) target_semaphore(%run_scoped3A : memref<!tpu.dma_semaphore, #tpu.memory_space<semaphore_mem>>)
      %dma_wait3A_90 = tpu.memref_slice %arg2[%mul3A_2] : memref<204800xi32, #tpu.memory_space<hbm>> -> memref<6400xi32, #tpu.memory_space<hbm>>
      %dma_wait3A_91 = tpu.memref_slice %arg2[%mul3A_2] : memref<204800xi32, #tpu.memory_space<hbm>> -> memref<6400xi32, #tpu.memory_space<hbm>>
      tpu.wait_dma2 semaphore(%run_scoped3A : memref<!tpu.dma_semaphore, #tpu.memory_space<semaphore_mem>>) src(%dma_wait3A_91 : memref<6400xi32, #tpu.memory_space<hbm>>) dst(%arg6 : memref<6400xi32, #tpu.memory_space<vmem>>)
      tpu.yield
    }) : () -> ()
    "tpu.region"() ({
      %run_scoped3A = tpu.sem_alloc : memref<!tpu.dma_semaphore, #tpu.memory_space<semaphore_mem>>
      tpu.enqueue_dma source(%arg4 : memref<12800xf32, #tpu.memory_space<hbm>>) target(%arg7 : memref<12800xf32, #tpu.memory_space<vmem>>) target_semaphore(%run_scoped3A : memref<!tpu.dma_semaphore, #tpu.memory_space<semaphore_mem>>)
      tpu.wait_dma2 semaphore(%run_scoped3A : memref<!tpu.dma_semaphore, #tpu.memory_space<semaphore_mem>>) src(%arg4 : memref<12800xf32, #tpu.memory_space<hbm>>) dst(%arg7 : memref<12800xf32, #tpu.memory_space<vmem>>)
      tpu.yield
    }) : () -> ()
    %scan3A = arith.constant 0 : i32
    %scan3A_5 = arith.constant 0 : i32
    %scan3A_6 = arith.constant 8 : i32
    %scan3A_7 = arith.addi %scan3A_5, %scan3A_6 : i32
    %scan3A_8 = arith.constant 1 : i32
    scf.for %scan3A_89 = %scan3A_5 to %scan3A_7 step %scan3A_8  : i32 {
      %mul3A_90 = arith.constant 4 : i32
      %mul3A_91 = arith.muli %scan3A_89, %mul3A_90 : i32
      %gt3A = arith.constant 0 : i32
      %gt3A_92 = arith.cmpi sgt, %scan3A_89, %gt3A : i32
      %convert_element_type3A = arith.extui %gt3A_92 : i1 to i32
      %cond3A = arith.constant 0 : i32
      %cond3A_93 = arith.cmpi ne, %convert_element_type3A, %cond3A : i32
      scf.if %cond3A_93 {
        %dma_wait3A_448 = arith.constant 0 : i32
        %dma_wait3A_449 = arith.constant 0 : i32
        %dma_wait3A_450 = arith.constant 0 : i32
        %dma_wait3A_451 = arith.constant 0 : i32
        %dma_wait3A_452 = tpu.memref_slice %arg8[%dma_wait3A_448, %dma_wait3A_450, %dma_wait3A_451] : memref<4x200x64xf32, #tpu.memory_space<vmem>> -> memref<1x200x64xf32, #tpu.memory_space<vmem>>
        %dma_wait3A_453 = tpu.memref_squeeze %dma_wait3A_452 : memref<1x200x64xf32, #tpu.memory_space<vmem>> -> memref<200x64xf32, #tpu.memory_space<vmem>>
        %dma_wait3A_454 = arith.constant 0 : i32
        %dma_wait3A_455 = arith.constant 0 : i32
        %dma_wait3A_456 = tpu.memref_slice %arg5[%mul3A_4, %dma_wait3A_454, %dma_wait3A_455] : memref<1024x200x64xf32, #tpu.memory_space<hbm>> -> memref<1x200x64xf32, #tpu.memory_space<hbm>>
        %dma_wait3A_457 = tpu.memref_squeeze %dma_wait3A_456 : memref<1x200x64xf32, #tpu.memory_space<hbm>> -> memref<200x64xf32, #tpu.memory_space<hbm>>
        %dma_wait3A_458 = tpu.memref_slice %arg10[%dma_wait3A_449] : memref<4x!tpu.dma_semaphore, #tpu.memory_space<semaphore_mem>> -> memref<1x!tpu.dma_semaphore, #tpu.memory_space<semaphore_mem>>
        %dma_wait3A_459 = tpu.memref_squeeze %dma_wait3A_458 : memref<1x!tpu.dma_semaphore, #tpu.memory_space<semaphore_mem>> -> memref<!tpu.dma_semaphore, #tpu.memory_space<semaphore_mem>>
        %dma_wait3A_460 = arith.constant 0 : i32
        %dma_wait3A_461 = arith.constant 0 : i32
        %dma_wait3A_462 = tpu.memref_slice %arg5[%mul3A_4, %dma_wait3A_460, %dma_wait3A_461] : memref<1024x200x64xf32, #tpu.memory_space<hbm>> -> memref<1x200x64xf32, #tpu.memory_space<hbm>>
        %dma_wait3A_463 = tpu.memref_squeeze %dma_wait3A_462 : memref<1x200x64xf32, #tpu.memory_space<hbm>> -> memref<200x64xf32, #tpu.memory_space<hbm>>
        %dma_wait3A_464 = arith.constant 0 : i32
        %dma_wait3A_465 = arith.constant 0 : i32
        %dma_wait3A_466 = tpu.memref_slice %arg8[%dma_wait3A_448, %dma_wait3A_464, %dma_wait3A_465] : memref<4x200x64xf32, #tpu.memory_space<vmem>> -> memref<1x200x64xf32, #tpu.memory_space<vmem>>
        %dma_wait3A_467 = tpu.memref_squeeze %dma_wait3A_466 : memref<1x200x64xf32, #tpu.memory_space<vmem>> -> memref<200x64xf32, #tpu.memory_space<vmem>>
        tpu.wait_dma2 semaphore(%dma_wait3A_459 : memref<!tpu.dma_semaphore, #tpu.memory_space<semaphore_mem>>) src(%dma_wait3A_467 : memref<200x64xf32, #tpu.memory_space<vmem>>) dst(%dma_wait3A_463 : memref<200x64xf32, #tpu.memory_space<hbm>>)
      } else {
      }
      %add3A_94 = arith.constant 0 : i32
      %add3A_95 = arith.addi %mul3A_91, %add3A_94 : i32
      %mul3A_96 = arith.constant 200 : i32
      %mul3A_97 = arith.muli %add3A_95, %mul3A_96 : i32
      %dma_start3A = arith.constant 0 : i32
      %dma_start3A_98 = arith.constant 0 : i32
      %dma_start3A_99 = arith.constant 0 : i32
      %dma_start3A_100 = arith.constant 0 : i32
      %dma_start3A_101 = tpu.memref_slice %arg8[%dma_start3A, %dma_start3A_99, %dma_start3A_100] : memref<4x200x64xf32, #tpu.memory_space<vmem>> -> memref<1x128x64xf32, #tpu.memory_space<vmem>>
      %dma_start3A_102 = tpu.memref_squeeze %dma_start3A_101 : memref<1x128x64xf32, #tpu.memory_space<vmem>> -> memref<128x64xf32, #tpu.memory_space<vmem>>
      %dma_start3A_103 = tpu.memref_slice %arg6[%mul3A_97] : memref<6400xi32, #tpu.memory_space<vmem>> -> memref<128xi32, #tpu.memory_space<vmem>>
      %dma_start3A_104 = arith.constant 0 : i32
      %dma_start3A_105 = arith.constant 0 : i32
      %dma_start3A_106 = tpu.memref_slice %arg3[%dma_start3A_104, %dma_start3A_105] : memref<1000000x64xf32, #tpu.memory_space<hbm>> -> memref<1000000x64xf32, #tpu.memory_space<hbm>>
      %dma_start3A_107 = tpu.memref_slice %arg9[%dma_start3A_98] : memref<4x!tpu.dma_semaphore, #tpu.memory_space<semaphore_mem>> -> memref<1x!tpu.dma_semaphore, #tpu.memory_space<semaphore_mem>>
      %dma_start3A_108 = tpu.memref_squeeze %dma_start3A_107 : memref<1x!tpu.dma_semaphore, #tpu.memory_space<semaphore_mem>> -> memref<!tpu.dma_semaphore, #tpu.memory_space<semaphore_mem>>
      tpu.enqueue_indirect_dma source(%dma_start3A_106 : memref<1000000x64xf32, #tpu.memory_space<hbm>>) target(%dma_start3A_102 : memref<128x64xf32, #tpu.memory_space<vmem>>) offsets(%dma_start3A_103 : memref<128xi32, #tpu.memory_space<vmem>>) semaphore(%dma_start3A_108 : memref<!tpu.dma_semaphore, #tpu.memory_space<semaphore_mem>>)
      %mul3A_109 = arith.constant 200 : i32
      %mul3A_110 = arith.muli %add3A_95, %mul3A_109 : i32
      %add3A_111 = arith.constant 128 : i32
      %add3A_112 = arith.addi %mul3A_110, %add3A_111 : i32
      %dma_start3A_113 = arith.constant 0 : i32
      %dma_start3A_114 = arith.constant 0 : i32
      %dma_start3A_115 = arith.constant 128 : i32
      %dma_start3A_116 = arith.constant 0 : i32
      %dma_start3A_117 = tpu.memref_slice %arg8[%dma_start3A_113, %dma_start3A_115, %dma_start3A_116] : memref<4x200x64xf32, #tpu.memory_space<vmem>> -> memref<1x72x64xf32, #tpu.memory_space<vmem>>
      %dma_start3A_118 = tpu.memref_squeeze %dma_start3A_117 : memref<1x72x64xf32, #tpu.memory_space<vmem>> -> memref<72x64xf32, #tpu.memory_space<vmem>>
      %dma_start3A_119 = tpu.memref_slice %arg6[%add3A_112] : memref<6400xi32, #tpu.memory_space<vmem>> -> memref<72xi32, #tpu.memory_space<vmem>>
      %dma_start3A_120 = arith.constant 0 : i32
      %dma_start3A_121 = arith.constant 0 : i32
      %dma_start3A_122 = tpu.memref_slice %arg3[%dma_start3A_120, %dma_start3A_121] : memref<1000000x64xf32, #tpu.memory_space<hbm>> -> memref<1000000x64xf32, #tpu.memory_space<hbm>>
      %dma_start3A_123 = tpu.memref_slice %arg9[%dma_start3A_114] : memref<4x!tpu.dma_semaphore, #tpu.memory_space<semaphore_mem>> -> memref<1x!tpu.dma_semaphore, #tpu.memory_space<semaphore_mem>>
      %dma_start3A_124 = tpu.memref_squeeze %dma_start3A_123 : memref<1x!tpu.dma_semaphore, #tpu.memory_space<semaphore_mem>> -> memref<!tpu.dma_semaphore, #tpu.memory_space<semaphore_mem>>
      tpu.enqueue_indirect_dma source(%dma_start3A_122 : memref<1000000x64xf32, #tpu.memory_space<hbm>>) target(%dma_start3A_118 : memref<72x64xf32, #tpu.memory_space<vmem>>) offsets(%dma_start3A_119 : memref<72xi32, #tpu.memory_space<vmem>>) semaphore(%dma_start3A_124 : memref<!tpu.dma_semaphore, #tpu.memory_space<semaphore_mem>>)
      %gt3A_125 = arith.constant 0 : i32
      %gt3A_126 = arith.cmpi sgt, %scan3A_89, %gt3A_125 : i32
      %convert_element_type3A_127 = arith.extui %gt3A_126 : i1 to i32
      %cond3A_128 = arith.constant 0 : i32
      %cond3A_129 = arith.cmpi ne, %convert_element_type3A_127, %cond3A_128 : i32
      scf.if %cond3A_129 {
        %dma_wait3A_448 = arith.constant 1 : i32
        %dma_wait3A_449 = arith.constant 1 : i32
        %dma_wait3A_450 = arith.constant 0 : i32
        %dma_wait3A_451 = arith.constant 0 : i32
        %dma_wait3A_452 = tpu.memref_slice %arg8[%dma_wait3A_448, %dma_wait3A_450, %dma_wait3A_451] : memref<4x200x64xf32, #tpu.memory_space<vmem>> -> memref<1x200x64xf32, #tpu.memory_space<vmem>>
        %dma_wait3A_453 = tpu.memref_squeeze %dma_wait3A_452 : memref<1x200x64xf32, #tpu.memory_space<vmem>> -> memref<200x64xf32, #tpu.memory_space<vmem>>
        %dma_wait3A_454 = arith.constant 0 : i32
        %dma_wait3A_455 = arith.constant 0 : i32
        %dma_wait3A_456 = tpu.memref_slice %arg5[%mul3A_4, %dma_wait3A_454, %dma_wait3A_455] : memref<1024x200x64xf32, #tpu.memory_space<hbm>> -> memref<1x200x64xf32, #tpu.memory_space<hbm>>
        %dma_wait3A_457 = tpu.memref_squeeze %dma_wait3A_456 : memref<1x200x64xf32, #tpu.memory_space<hbm>> -> memref<200x64xf32, #tpu.memory_space<hbm>>
        %dma_wait3A_458 = tpu.memref_slice %arg10[%dma_wait3A_449] : memref<4x!tpu.dma_semaphore, #tpu.memory_space<semaphore_mem>> -> memref<1x!tpu.dma_semaphore, #tpu.memory_space<semaphore_mem>>
        %dma_wait3A_459 = tpu.memref_squeeze %dma_wait3A_458 : memref<1x!tpu.dma_semaphore, #tpu.memory_space<semaphore_mem>> -> memref<!tpu.dma_semaphore, #tpu.memory_space<semaphore_mem>>
        %dma_wait3A_460 = arith.constant 0 : i32
        %dma_wait3A_461 = arith.constant 0 : i32
        %dma_wait3A_462 = tpu.memref_slice %arg5[%mul3A_4, %dma_wait3A_460, %dma_wait3A_461] : memref<1024x200x64xf32, #tpu.memory_space<hbm>> -> memref<1x200x64xf32, #tpu.memory_space<hbm>>
        %dma_wait3A_463 = tpu.memref_squeeze %dma_wait3A_462 : memref<1x200x64xf32, #tpu.memory_space<hbm>> -> memref<200x64xf32, #tpu.memory_space<hbm>>
        %dma_wait3A_464 = arith.constant 0 : i32
        %dma_wait3A_465 = arith.constant 0 : i32
        %dma_wait3A_466 = tpu.memref_slice %arg8[%dma_wait3A_448, %dma_wait3A_464, %dma_wait3A_465] : memref<4x200x64xf32, #tpu.memory_space<vmem>> -> memref<1x200x64xf32, #tpu.memory_space<vmem>>
        %dma_wait3A_467 = tpu.memref_squeeze %dma_wait3A_466 : memref<1x200x64xf32, #tpu.memory_space<vmem>> -> memref<200x64xf32, #tpu.memory_space<vmem>>
        tpu.wait_dma2 semaphore(%dma_wait3A_459 : memref<!tpu.dma_semaphore, #tpu.memory_space<semaphore_mem>>) src(%dma_wait3A_467 : memref<200x64xf32, #tpu.memory_space<vmem>>) dst(%dma_wait3A_463 : memref<200x64xf32, #tpu.memory_space<hbm>>)
      } else {
      }
      %add3A_130 = arith.constant 1 : i32
      %add3A_131 = arith.addi %mul3A_91, %add3A_130 : i32
      %mul3A_132 = arith.constant 200 : i32
      %mul3A_133 = arith.muli %add3A_131, %mul3A_132 : i32
      %dma_start3A_134 = arith.constant 1 : i32
      %dma_start3A_135 = arith.constant 1 : i32
      %dma_start3A_136 = arith.constant 0 : i32
      %dma_start3A_137 = arith.constant 0 : i32
      %dma_start3A_138 = tpu.memref_slice %arg8[%dma_start3A_134, %dma_start3A_136, %dma_start3A_137] : memref<4x200x64xf32, #tpu.memory_space<vmem>> -> memref<1x128x64xf32, #tpu.memory_space<vmem>>
      %dma_start3A_139 = tpu.memref_squeeze %dma_start3A_138 : memref<1x128x64xf32, #tpu.memory_space<vmem>> -> memref<128x64xf32, #tpu.memory_space<vmem>>
      %dma_start3A_140 = tpu.memref_slice %arg6[%mul3A_133] : memref<6400xi32, #tpu.memory_space<vmem>> -> memref<128xi32, #tpu.memory_space<vmem>>
      %dma_start3A_141 = arith.constant 0 : i32
      %dma_start3A_142 = arith.constant 0 : i32
      %dma_start3A_143 = tpu.memref_slice %arg3[%dma_start3A_141, %dma_start3A_142] : memref<1000000x64xf32, #tpu.memory_space<hbm>> -> memref<1000000x64xf32, #tpu.memory_space<hbm>>
      %dma_start3A_144 = tpu.memref_slice %arg9[%dma_start3A_135] : memref<4x!tpu.dma_semaphore, #tpu.memory_space<semaphore_mem>> -> memref<1x!tpu.dma_semaphore, #tpu.memory_space<semaphore_mem>>
      %dma_start3A_145 = tpu.memref_squeeze %dma_start3A_144 : memref<1x!tpu.dma_semaphore, #tpu.memory_space<semaphore_mem>> -> memref<!tpu.dma_semaphore, #tpu.memory_space<semaphore_mem>>
      tpu.enqueue_indirect_dma source(%dma_start3A_143 : memref<1000000x64xf32, #tpu.memory_space<hbm>>) target(%dma_start3A_139 : memref<128x64xf32, #tpu.memory_space<vmem>>) offsets(%dma_start3A_140 : memref<128xi32, #tpu.memory_space<vmem>>) semaphore(%dma_start3A_145 : memref<!tpu.dma_semaphore, #tpu.memory_space<semaphore_mem>>)
      %mul3A_146 = arith.constant 200 : i32
      %mul3A_147 = arith.muli %add3A_131, %mul3A_146 : i32
      %add3A_148 = arith.constant 128 : i32
      %add3A_149 = arith.addi %mul3A_147, %add3A_148 : i32
      %dma_start3A_150 = arith.constant 1 : i32
      %dma_start3A_151 = arith.constant 1 : i32
      %dma_start3A_152 = arith.constant 128 : i32
      %dma_start3A_153 = arith.constant 0 : i32
      %dma_start3A_154 = tpu.memref_slice %arg8[%dma_start3A_150, %dma_start3A_152, %dma_start3A_153] : memref<4x200x64xf32, #tpu.memory_space<vmem>> -> memref<1x72x64xf32, #tpu.memory_space<vmem>>
      %dma_start3A_155 = tpu.memref_squeeze %dma_start3A_154 : memref<1x72x64xf32, #tpu.memory_space<vmem>> -> memref<72x64xf32, #tpu.memory_space<vmem>>
      %dma_start3A_156 = tpu.memref_slice %arg6[%add3A_149] : memref<6400xi32, #tpu.memory_space<vmem>> -> memref<72xi32, #tpu.memory_space<vmem>>
      %dma_start3A_157 = arith.constant 0 : i32
      %dma_start3A_158 = arith.constant 0 : i32
      %dma_start3A_159 = tpu.memref_slice %arg3[%dma_start3A_157, %dma_start3A_158] : memref<1000000x64xf32, #tpu.memory_space<hbm>> -> memref<1000000x64xf32, #tpu.memory_space<hbm>>
      %dma_start3A_160 = tpu.memref_slice %arg9[%dma_start3A_151] : memref<4x!tpu.dma_semaphore, #tpu.memory_space<semaphore_mem>> -> memref<1x!tpu.dma_semaphore, #tpu.memory_space<semaphore_mem>>
      %dma_start3A_161 = tpu.memref_squeeze %dma_start3A_160 : memref<1x!tpu.dma_semaphore, #tpu.memory_space<semaphore_mem>> -> memref<!tpu.dma_semaphore, #tpu.memory_space<semaphore_mem>>
      tpu.enqueue_indirect_dma source(%dma_start3A_159 : memref<1000000x64xf32, #tpu.memory_space<hbm>>) target(%dma_start3A_155 : memref<72x64xf32, #tpu.memory_space<vmem>>) offsets(%dma_start3A_156 : memref<72xi32, #tpu.memory_space<vmem>>) semaphore(%dma_start3A_161 : memref<!tpu.dma_semaphore, #tpu.memory_space<semaphore_mem>>)
      %gt3A_162 = arith.constant 0 : i32
      %gt3A_163 = arith.cmpi sgt, %scan3A_89, %gt3A_162 : i32
      %convert_element_type3A_164 = arith.extui %gt3A_163 : i1 to i32
      %cond3A_165 = arith.constant 0 : i32
      %cond3A_166 = arith.cmpi ne, %convert_element_type3A_164, %cond3A_165 : i32
      scf.if %cond3A_166 {
        %dma_wait3A_448 = arith.constant 2 : i32
        %dma_wait3A_449 = arith.constant 2 : i32
        %dma_wait3A_450 = arith.constant 0 : i32
        %dma_wait3A_451 = arith.constant 0 : i32
        %dma_wait3A_452 = tpu.memref_slice %arg8[%dma_wait3A_448, %dma_wait3A_450, %dma_wait3A_451] : memref<4x200x64xf32, #tpu.memory_space<vmem>> -> memref<1x200x64xf32, #tpu.memory_space<vmem>>
        %dma_wait3A_453 = tpu.memref_squeeze %dma_wait3A_452 : memref<1x200x64xf32, #tpu.memory_space<vmem>> -> memref<200x64xf32, #tpu.memory_space<vmem>>
        %dma_wait3A_454 = arith.constant 0 : i32
        %dma_wait3A_455 = arith.constant 0 : i32
        %dma_wait3A_456 = tpu.memref_slice %arg5[%mul3A_4, %dma_wait3A_454, %dma_wait3A_455] : memref<1024x200x64xf32, #tpu.memory_space<hbm>> -> memref<1x200x64xf32, #tpu.memory_space<hbm>>
        %dma_wait3A_457 = tpu.memref_squeeze %dma_wait3A_456 : memref<1x200x64xf32, #tpu.memory_space<hbm>> -> memref<200x64xf32, #tpu.memory_space<hbm>>
        %dma_wait3A_458 = tpu.memref_slice %arg10[%dma_wait3A_449] : memref<4x!tpu.dma_semaphore, #tpu.memory_space<semaphore_mem>> -> memref<1x!tpu.dma_semaphore, #tpu.memory_space<semaphore_mem>>
        %dma_wait3A_459 = tpu.memref_squeeze %dma_wait3A_458 : memref<1x!tpu.dma_semaphore, #tpu.memory_space<semaphore_mem>> -> memref<!tpu.dma_semaphore, #tpu.memory_space<semaphore_mem>>
        %dma_wait3A_460 = arith.constant 0 : i32
        %dma_wait3A_461 = arith.constant 0 : i32
        %dma_wait3A_462 = tpu.memref_slice %arg5[%mul3A_4, %dma_wait3A_460, %dma_wait3A_461] : memref<1024x200x64xf32, #tpu.memory_space<hbm>> -> memref<1x200x64xf32, #tpu.memory_space<hbm>>
        %dma_wait3A_463 = tpu.memref_squeeze %dma_wait3A_462 : memref<1x200x64xf32, #tpu.memory_space<hbm>> -> memref<200x64xf32, #tpu.memory_space<hbm>>
        %dma_wait3A_464 = arith.constant 0 : i32
        %dma_wait3A_465 = arith.constant 0 : i32
        %dma_wait3A_466 = tpu.memref_slice %arg8[%dma_wait3A_448, %dma_wait3A_464, %dma_wait3A_465] : memref<4x200x64xf32, #tpu.memory_space<vmem>> -> memref<1x200x64xf32, #tpu.memory_space<vmem>>
        %dma_wait3A_467 = tpu.memref_squeeze %dma_wait3A_466 : memref<1x200x64xf32, #tpu.memory_space<vmem>> -> memref<200x64xf32, #tpu.memory_space<vmem>>
        tpu.wait_dma2 semaphore(%dma_wait3A_459 : memref<!tpu.dma_semaphore, #tpu.memory_space<semaphore_mem>>) src(%dma_wait3A_467 : memref<200x64xf32, #tpu.memory_space<vmem>>) dst(%dma_wait3A_463 : memref<200x64xf32, #tpu.memory_space<hbm>>)
      } else {
      }
      %add3A_167 = arith.constant 2 : i32
      %add3A_168 = arith.addi %mul3A_91, %add3A_167 : i32
      %mul3A_169 = arith.constant 200 : i32
      %mul3A_170 = arith.muli %add3A_168, %mul3A_169 : i32
      %dma_start3A_171 = arith.constant 2 : i32
      %dma_start3A_172 = arith.constant 2 : i32
      %dma_start3A_173 = arith.constant 0 : i32
      %dma_start3A_174 = arith.constant 0 : i32
      %dma_start3A_175 = tpu.memref_slice %arg8[%dma_start3A_171, %dma_start3A_173, %dma_start3A_174] : memref<4x200x64xf32, #tpu.memory_space<vmem>> -> memref<1x128x64xf32, #tpu.memory_space<vmem>>
      %dma_start3A_176 = tpu.memref_squeeze %dma_start3A_175 : memref<1x128x64xf32, #tpu.memory_space<vmem>> -> memref<128x64xf32, #tpu.memory_space<vmem>>
      %dma_start3A_177 = tpu.memref_slice %arg6[%mul3A_170] : memref<6400xi32, #tpu.memory_space<vmem>> -> memref<128xi32, #tpu.memory_space<vmem>>
      %dma_start3A_178 = arith.constant 0 : i32
      %dma_start3A_179 = arith.constant 0 : i32
      %dma_start3A_180 = tpu.memref_slice %arg3[%dma_start3A_178, %dma_start3A_179] : memref<1000000x64xf32, #tpu.memory_space<hbm>> -> memref<1000000x64xf32, #tpu.memory_space<hbm>>
      %dma_start3A_181 = tpu.memref_slice %arg9[%dma_start3A_172] : memref<4x!tpu.dma_semaphore, #tpu.memory_space<semaphore_mem>> -> memref<1x!tpu.dma_semaphore, #tpu.memory_space<semaphore_mem>>
      %dma_start3A_182 = tpu.memref_squeeze %dma_start3A_181 : memref<1x!tpu.dma_semaphore, #tpu.memory_space<semaphore_mem>> -> memref<!tpu.dma_semaphore, #tpu.memory_space<semaphore_mem>>
      tpu.enqueue_indirect_dma source(%dma_start3A_180 : memref<1000000x64xf32, #tpu.memory_space<hbm>>) target(%dma_start3A_176 : memref<128x64xf32, #tpu.memory_space<vmem>>) offsets(%dma_start3A_177 : memref<128xi32, #tpu.memory_space<vmem>>) semaphore(%dma_start3A_182 : memref<!tpu.dma_semaphore, #tpu.memory_space<semaphore_mem>>)
      %mul3A_183 = arith.constant 200 : i32
      %mul3A_184 = arith.muli %add3A_168, %mul3A_183 : i32
      %add3A_185 = arith.constant 128 : i32
      %add3A_186 = arith.addi %mul3A_184, %add3A_185 : i32
      %dma_start3A_187 = arith.constant 2 : i32
      %dma_start3A_188 = arith.constant 2 : i32
      %dma_start3A_189 = arith.constant 128 : i32
      %dma_start3A_190 = arith.constant 0 : i32
      %dma_start3A_191 = tpu.memref_slice %arg8[%dma_start3A_187, %dma_start3A_189, %dma_start3A_190] : memref<4x200x64xf32, #tpu.memory_space<vmem>> -> memref<1x72x64xf32, #tpu.memory_space<vmem>>
      %dma_start3A_192 = tpu.memref_squeeze %dma_start3A_191 : memref<1x72x64xf32, #tpu.memory_space<vmem>> -> memref<72x64xf32, #tpu.memory_space<vmem>>
      %dma_start3A_193 = tpu.memref_slice %arg6[%add3A_186] : memref<6400xi32, #tpu.memory_space<vmem>> -> memref<72xi32, #tpu.memory_space<vmem>>
      %dma_start3A_194 = arith.constant 0 : i32
      %dma_start3A_195 = arith.constant 0 : i32
      %dma_start3A_196 = tpu.memref_slice %arg3[%dma_start3A_194, %dma_start3A_195] : memref<1000000x64xf32, #tpu.memory_space<hbm>> -> memref<1000000x64xf32, #tpu.memory_space<hbm>>
      %dma_start3A_197 = tpu.memref_slice %arg9[%dma_start3A_188] : memref<4x!tpu.dma_semaphore, #tpu.memory_space<semaphore_mem>> -> memref<1x!tpu.dma_semaphore, #tpu.memory_space<semaphore_mem>>
      %dma_start3A_198 = tpu.memref_squeeze %dma_start3A_197 : memref<1x!tpu.dma_semaphore, #tpu.memory_space<semaphore_mem>> -> memref<!tpu.dma_semaphore, #tpu.memory_space<semaphore_mem>>
      tpu.enqueue_indirect_dma source(%dma_start3A_196 : memref<1000000x64xf32, #tpu.memory_space<hbm>>) target(%dma_start3A_192 : memref<72x64xf32, #tpu.memory_space<vmem>>) offsets(%dma_start3A_193 : memref<72xi32, #tpu.memory_space<vmem>>) semaphore(%dma_start3A_198 : memref<!tpu.dma_semaphore, #tpu.memory_space<semaphore_mem>>)
      %gt3A_199 = arith.constant 0 : i32
      %gt3A_200 = arith.cmpi sgt, %scan3A_89, %gt3A_199 : i32
      %convert_element_type3A_201 = arith.extui %gt3A_200 : i1 to i32
      %cond3A_202 = arith.constant 0 : i32
      %cond3A_203 = arith.cmpi ne, %convert_element_type3A_201, %cond3A_202 : i32
      scf.if %cond3A_203 {
        %dma_wait3A_448 = arith.constant 3 : i32
        %dma_wait3A_449 = arith.constant 3 : i32
        %dma_wait3A_450 = arith.constant 0 : i32
        %dma_wait3A_451 = arith.constant 0 : i32
        %dma_wait3A_452 = tpu.memref_slice %arg8[%dma_wait3A_448, %dma_wait3A_450, %dma_wait3A_451] : memref<4x200x64xf32, #tpu.memory_space<vmem>> -> memref<1x200x64xf32, #tpu.memory_space<vmem>>
        %dma_wait3A_453 = tpu.memref_squeeze %dma_wait3A_452 : memref<1x200x64xf32, #tpu.memory_space<vmem>> -> memref<200x64xf32, #tpu.memory_space<vmem>>
        %dma_wait3A_454 = arith.constant 0 : i32
        %dma_wait3A_455 = arith.constant 0 : i32
        %dma_wait3A_456 = tpu.memref_slice %arg5[%mul3A_4, %dma_wait3A_454, %dma_wait3A_455] : memref<1024x200x64xf32, #tpu.memory_space<hbm>> -> memref<1x200x64xf32, #tpu.memory_space<hbm>>
        %dma_wait3A_457 = tpu.memref_squeeze %dma_wait3A_456 : memref<1x200x64xf32, #tpu.memory_space<hbm>> -> memref<200x64xf32, #tpu.memory_space<hbm>>
        %dma_wait3A_458 = tpu.memref_slice %arg10[%dma_wait3A_449] : memref<4x!tpu.dma_semaphore, #tpu.memory_space<semaphore_mem>> -> memref<1x!tpu.dma_semaphore, #tpu.memory_space<semaphore_mem>>
        %dma_wait3A_459 = tpu.memref_squeeze %dma_wait3A_458 : memref<1x!tpu.dma_semaphore, #tpu.memory_space<semaphore_mem>> -> memref<!tpu.dma_semaphore, #tpu.memory_space<semaphore_mem>>
        %dma_wait3A_460 = arith.constant 0 : i32
        %dma_wait3A_461 = arith.constant 0 : i32
        %dma_wait3A_462 = tpu.memref_slice %arg5[%mul3A_4, %dma_wait3A_460, %dma_wait3A_461] : memref<1024x200x64xf32, #tpu.memory_space<hbm>> -> memref<1x200x64xf32, #tpu.memory_space<hbm>>
        %dma_wait3A_463 = tpu.memref_squeeze %dma_wait3A_462 : memref<1x200x64xf32, #tpu.memory_space<hbm>> -> memref<200x64xf32, #tpu.memory_space<hbm>>
        %dma_wait3A_464 = arith.constant 0 : i32
        %dma_wait3A_465 = arith.constant 0 : i32
        %dma_wait3A_466 = tpu.memref_slice %arg8[%dma_wait3A_448, %dma_wait3A_464, %dma_wait3A_465] : memref<4x200x64xf32, #tpu.memory_space<vmem>> -> memref<1x200x64xf32, #tpu.memory_space<vmem>>
        %dma_wait3A_467 = tpu.memref_squeeze %dma_wait3A_466 : memref<1x200x64xf32, #tpu.memory_space<vmem>> -> memref<200x64xf32, #tpu.memory_space<vmem>>
        tpu.wait_dma2 semaphore(%dma_wait3A_459 : memref<!tpu.dma_semaphore, #tpu.memory_space<semaphore_mem>>) src(%dma_wait3A_467 : memref<200x64xf32, #tpu.memory_space<vmem>>) dst(%dma_wait3A_463 : memref<200x64xf32, #tpu.memory_space<hbm>>)
      } else {
      }
      %add3A_204 = arith.constant 3 : i32
      %add3A_205 = arith.addi %mul3A_91, %add3A_204 : i32
      %mul3A_206 = arith.constant 200 : i32
      %mul3A_207 = arith.muli %add3A_205, %mul3A_206 : i32
      %dma_start3A_208 = arith.constant 3 : i32
      %dma_start3A_209 = arith.constant 3 : i32
      %dma_start3A_210 = arith.constant 0 : i32
      %dma_start3A_211 = arith.constant 0 : i32
      %dma_start3A_212 = tpu.memref_slice %arg8[%dma_start3A_208, %dma_start3A_210, %dma_start3A_211] : memref<4x200x64xf32, #tpu.memory_space<vmem>> -> memref<1x128x64xf32, #tpu.memory_space<vmem>>
      %dma_start3A_213 = tpu.memref_squeeze %dma_start3A_212 : memref<1x128x64xf32, #tpu.memory_space<vmem>> -> memref<128x64xf32, #tpu.memory_space<vmem>>
      %dma_start3A_214 = tpu.memref_slice %arg6[%mul3A_207] : memref<6400xi32, #tpu.memory_space<vmem>> -> memref<128xi32, #tpu.memory_space<vmem>>
      %dma_start3A_215 = arith.constant 0 : i32
      %dma_start3A_216 = arith.constant 0 : i32
      %dma_start3A_217 = tpu.memref_slice %arg3[%dma_start3A_215, %dma_start3A_216] : memref<1000000x64xf32, #tpu.memory_space<hbm>> -> memref<1000000x64xf32, #tpu.memory_space<hbm>>
      %dma_start3A_218 = tpu.memref_slice %arg9[%dma_start3A_209] : memref<4x!tpu.dma_semaphore, #tpu.memory_space<semaphore_mem>> -> memref<1x!tpu.dma_semaphore, #tpu.memory_space<semaphore_mem>>
      %dma_start3A_219 = tpu.memref_squeeze %dma_start3A_218 : memref<1x!tpu.dma_semaphore, #tpu.memory_space<semaphore_mem>> -> memref<!tpu.dma_semaphore, #tpu.memory_space<semaphore_mem>>
      tpu.enqueue_indirect_dma source(%dma_start3A_217 : memref<1000000x64xf32, #tpu.memory_space<hbm>>) target(%dma_start3A_213 : memref<128x64xf32, #tpu.memory_space<vmem>>) offsets(%dma_start3A_214 : memref<128xi32, #tpu.memory_space<vmem>>) semaphore(%dma_start3A_219 : memref<!tpu.dma_semaphore, #tpu.memory_space<semaphore_mem>>)
      %mul3A_220 = arith.constant 200 : i32
      %mul3A_221 = arith.muli %add3A_205, %mul3A_220 : i32
      %add3A_222 = arith.constant 128 : i32
      %add3A_223 = arith.addi %mul3A_221, %add3A_222 : i32
      %dma_start3A_224 = arith.constant 3 : i32
      %dma_start3A_225 = arith.constant 3 : i32
      %dma_start3A_226 = arith.constant 128 : i32
      %dma_start3A_227 = arith.constant 0 : i32
      %dma_start3A_228 = tpu.memref_slice %arg8[%dma_start3A_224, %dma_start3A_226, %dma_start3A_227] : memref<4x200x64xf32, #tpu.memory_space<vmem>> -> memref<1x72x64xf32, #tpu.memory_space<vmem>>
      %dma_start3A_229 = tpu.memref_squeeze %dma_start3A_228 : memref<1x72x64xf32, #tpu.memory_space<vmem>> -> memref<72x64xf32, #tpu.memory_space<vmem>>
      %dma_start3A_230 = tpu.memref_slice %arg6[%add3A_223] : memref<6400xi32, #tpu.memory_space<vmem>> -> memref<72xi32, #tpu.memory_space<vmem>>
      %dma_start3A_231 = arith.constant 0 : i32
      %dma_start3A_232 = arith.constant 0 : i32
      %dma_start3A_233 = tpu.memref_slice %arg3[%dma_start3A_231, %dma_start3A_232] : memref<1000000x64xf32, #tpu.memory_space<hbm>> -> memref<1000000x64xf32, #tpu.memory_space<hbm>>
      %dma_start3A_234 = tpu.memref_slice %arg9[%dma_start3A_225] : memref<4x!tpu.dma_semaphore, #tpu.memory_space<semaphore_mem>> -> memref<1x!tpu.dma_semaphore, #tpu.memory_space<semaphore_mem>>
      %dma_start3A_235 = tpu.memref_squeeze %dma_start3A_234 : memref<1x!tpu.dma_semaphore, #tpu.memory_space<semaphore_mem>> -> memref<!tpu.dma_semaphore, #tpu.memory_space<semaphore_mem>>
      tpu.enqueue_indirect_dma source(%dma_start3A_233 : memref<1000000x64xf32, #tpu.memory_space<hbm>>) target(%dma_start3A_229 : memref<72x64xf32, #tpu.memory_space<vmem>>) offsets(%dma_start3A_230 : memref<72xi32, #tpu.memory_space<vmem>>) semaphore(%dma_start3A_235 : memref<!tpu.dma_semaphore, #tpu.memory_space<semaphore_mem>>)
      %dma_wait3A_236 = arith.constant 0 : i32
      %dma_wait3A_237 = arith.constant 0 : i32
      %dma_wait3A_238 = arith.constant 0 : i32
      %dma_wait3A_239 = arith.constant 0 : i32
      %dma_wait3A_240 = tpu.memref_slice %arg8[%dma_wait3A_236, %dma_wait3A_238, %dma_wait3A_239] : memref<4x200x64xf32, #tpu.memory_space<vmem>> -> memref<1x128x64xf32, #tpu.memory_space<vmem>>
      %dma_wait3A_241 = tpu.memref_squeeze %dma_wait3A_240 : memref<1x128x64xf32, #tpu.memory_space<vmem>> -> memref<128x64xf32, #tpu.memory_space<vmem>>
      %dma_wait3A_242 = tpu.memref_slice %arg6[%mul3A_97] : memref<6400xi32, #tpu.memory_space<vmem>> -> memref<128xi32, #tpu.memory_space<vmem>>
      %dma_wait3A_243 = arith.constant 0 : i32
      %dma_wait3A_244 = arith.constant 0 : i32
      %dma_wait3A_245 = tpu.memref_slice %arg3[%dma_wait3A_243, %dma_wait3A_244] : memref<1000000x64xf32, #tpu.memory_space<hbm>> -> memref<1000000x64xf32, #tpu.memory_space<hbm>>
      %dma_wait3A_246 = tpu.memref_slice %arg9[%dma_wait3A_237] : memref<4x!tpu.dma_semaphore, #tpu.memory_space<semaphore_mem>> -> memref<1x!tpu.dma_semaphore, #tpu.memory_space<semaphore_mem>>
      %dma_wait3A_247 = tpu.memref_squeeze %dma_wait3A_246 : memref<1x!tpu.dma_semaphore, #tpu.memory_space<semaphore_mem>> -> memref<!tpu.dma_semaphore, #tpu.memory_space<semaphore_mem>>
      tpu.wait_indirect_dma semaphore(%dma_wait3A_247 : memref<!tpu.dma_semaphore, #tpu.memory_space<semaphore_mem>>) src(%dma_wait3A_245 : memref<1000000x64xf32, #tpu.memory_space<hbm>>) dst(%dma_wait3A_241 : memref<128x64xf32, #tpu.memory_space<vmem>>)
      %dma_wait3A_248 = arith.constant 0 : i32
      %dma_wait3A_249 = arith.constant 0 : i32
      %dma_wait3A_250 = arith.constant 128 : i32
      %dma_wait3A_251 = arith.constant 0 : i32
      %dma_wait3A_252 = tpu.memref_slice %arg8[%dma_wait3A_248, %dma_wait3A_250, %dma_wait3A_251] : memref<4x200x64xf32, #tpu.memory_space<vmem>> -> memref<1x72x64xf32, #tpu.memory_space<vmem>>
      %dma_wait3A_253 = tpu.memref_squeeze %dma_wait3A_252 : memref<1x72x64xf32, #tpu.memory_space<vmem>> -> memref<72x64xf32, #tpu.memory_space<vmem>>
      %dma_wait3A_254 = tpu.memref_slice %arg6[%add3A_112] : memref<6400xi32, #tpu.memory_space<vmem>> -> memref<72xi32, #tpu.memory_space<vmem>>
      %dma_wait3A_255 = arith.constant 0 : i32
      %dma_wait3A_256 = arith.constant 0 : i32
      %dma_wait3A_257 = tpu.memref_slice %arg3[%dma_wait3A_255, %dma_wait3A_256] : memref<1000000x64xf32, #tpu.memory_space<hbm>> -> memref<1000000x64xf32, #tpu.memory_space<hbm>>
      %dma_wait3A_258 = tpu.memref_slice %arg9[%dma_wait3A_249] : memref<4x!tpu.dma_semaphore, #tpu.memory_space<semaphore_mem>> -> memref<1x!tpu.dma_semaphore, #tpu.memory_space<semaphore_mem>>
      %dma_wait3A_259 = tpu.memref_squeeze %dma_wait3A_258 : memref<1x!tpu.dma_semaphore, #tpu.memory_space<semaphore_mem>> -> memref<!tpu.dma_semaphore, #tpu.memory_space<semaphore_mem>>
      tpu.wait_indirect_dma semaphore(%dma_wait3A_259 : memref<!tpu.dma_semaphore, #tpu.memory_space<semaphore_mem>>) src(%dma_wait3A_257 : memref<1000000x64xf32, #tpu.memory_space<hbm>>) dst(%dma_wait3A_253 : memref<72x64xf32, #tpu.memory_space<vmem>>)
      %scan3A_260 = arith.constant 0 : i32
      %scan3A_261 = arith.constant 0 : i32
      %scan3A_262 = arith.constant 200 : i32
      %scan3A_263 = arith.addi %scan3A_261, %scan3A_262 : i32
      %scan3A_264 = arith.constant 1 : i32
      scf.for %scan3A_448 = %scan3A_261 to %scan3A_263 step %scan3A_264  : i32 {
        %mul3A_449 = arith.constant 64 : i32
        %mul3A_450 = arith.muli %scan3A_448, %mul3A_449 : i32
        %add3A_451 = arith.constant 0 : i32
        %add3A_452 = arith.addi %mul3A_450, %add3A_451 : i32
        %get3A = arith.index_cast %add3A_452 : i32 to index
        %get3A_453 = tpu.vector_load %arg7[%get3A] {strides = array<i32>} : memref<12800xf32, #tpu.memory_space<vmem>>, vector<16xf32>,
        %get3A_454 = vector.shape_cast %get3A_453 : vector<16xf32> to vector<16xf32>
        %swap3A = arith.constant 0 : i32
        %swap3A_455 = arith.index_cast %swap3A : i32 to index
        %swap3A_456 = arith.index_cast %scan3A_448 : i32 to index
        %swap3A_457 = arith.constant 0 : index
        %swap3A_458 = tpu.vector_load %arg8[%swap3A_455, %swap3A_456, %swap3A_457] {strides = array<i32>} : memref<4x200x64xf32, #tpu.memory_space<vmem>>, vector<1x1x16xf32>,
        %swap3A_459 = vector.shape_cast %swap3A_458 : vector<1x1x16xf32> to vector<16xf32>
        %swap3A_460 = vector.shape_cast %get3A_454 : vector<16xf32> to vector<1x1x16xf32>
        tpu.vector_store %arg8[%swap3A_455, %swap3A_456, %swap3A_457], %swap3A_460 {add = true, strides = array<i32>} : memref<4x200x64xf32, #tpu.memory_space<vmem>>, vector<1x1x16xf32>,
        %mul3A_461 = arith.constant 64 : i32
        %mul3A_462 = arith.muli %scan3A_448, %mul3A_461 : i32
        %add3A_463 = arith.constant 16 : i32
        %add3A_464 = arith.addi %mul3A_462, %add3A_463 : i32
        %get3A_465 = arith.index_cast %add3A_464 : i32 to index
        %get3A_466 = tpu.vector_load %arg7[%get3A_465] {strides = array<i32>} : memref<12800xf32, #tpu.memory_space<vmem>>, vector<16xf32>,
        %get3A_467 = vector.shape_cast %get3A_466 : vector<16xf32> to vector<16xf32>
        %swap3A_468 = arith.constant 0 : i32
        %swap3A_469 = arith.index_cast %swap3A_468 : i32 to index
        %swap3A_470 = arith.index_cast %scan3A_448 : i32 to index
        %swap3A_471 = arith.constant 16 : index
        %swap3A_472 = tpu.vector_load %arg8[%swap3A_469, %swap3A_470, %swap3A_471] {strides = array<i32>} : memref<4x200x64xf32, #tpu.memory_space<vmem>>, vector<1x1x16xf32>,
        %swap3A_473 = vector.shape_cast %swap3A_472 : vector<1x1x16xf32> to vector<16xf32>
        %swap3A_474 = vector.shape_cast %get3A_467 : vector<16xf32> to vector<1x1x16xf32>
        tpu.vector_store %arg8[%swap3A_469, %swap3A_470, %swap3A_471], %swap3A_474 {add = true, strides = array<i32>} : memref<4x200x64xf32, #tpu.memory_space<vmem>>, vector<1x1x16xf32>,
        %mul3A_475 = arith.constant 64 : i32
        %mul3A_476 = arith.muli %scan3A_448, %mul3A_475 : i32
        %add3A_477 = arith.constant 32 : i32
        %add3A_478 = arith.addi %mul3A_476, %add3A_477 : i32
        %get3A_479 = arith.index_cast %add3A_478 : i32 to index
        %get3A_480 = tpu.vector_load %arg7[%get3A_479] {strides = array<i32>} : memref<12800xf32, #tpu.memory_space<vmem>>, vector<16xf32>,
        %get3A_481 = vector.shape_cast %get3A_480 : vector<16xf32> to vector<16xf32>
        %swap3A_482 = arith.constant 0 : i32
        %swap3A_483 = arith.index_cast %swap3A_482 : i32 to index
        %swap3A_484 = arith.index_cast %scan3A_448 : i32 to index
        %swap3A_485 = arith.constant 32 : index
        %swap3A_486 = tpu.vector_load %arg8[%swap3A_483, %swap3A_484, %swap3A_485] {strides = array<i32>} : memref<4x200x64xf32, #tpu.memory_space<vmem>>, vector<1x1x16xf32>,
        %swap3A_487 = vector.shape_cast %swap3A_486 : vector<1x1x16xf32> to vector<16xf32>
        %swap3A_488 = vector.shape_cast %get3A_481 : vector<16xf32> to vector<1x1x16xf32>
        tpu.vector_store %arg8[%swap3A_483, %swap3A_484, %swap3A_485], %swap3A_488 {add = true, strides = array<i32>} : memref<4x200x64xf32, #tpu.memory_space<vmem>>, vector<1x1x16xf32>,
        %mul3A_489 = arith.constant 64 : i32
        %mul3A_490 = arith.muli %scan3A_448, %mul3A_489 : i32
        %add3A_491 = arith.constant 48 : i32
        %add3A_492 = arith.addi %mul3A_490, %add3A_491 : i32
        %get3A_493 = arith.index_cast %add3A_492 : i32 to index
        %get3A_494 = tpu.vector_load %arg7[%get3A_493] {strides = array<i32>} : memref<12800xf32, #tpu.memory_space<vmem>>, vector<16xf32>,
        %get3A_495 = vector.shape_cast %get3A_494 : vector<16xf32> to vector<16xf32>
        %swap3A_496 = arith.constant 0 : i32
        %swap3A_497 = arith.index_cast %swap3A_496 : i32 to index
        %swap3A_498 = arith.index_cast %scan3A_448 : i32 to index
        %swap3A_499 = arith.constant 48 : index
        %swap3A_500 = tpu.vector_load %arg8[%swap3A_497, %swap3A_498, %swap3A_499] {strides = array<i32>} : memref<4x200x64xf32, #tpu.memory_space<vmem>>, vector<1x1x16xf32>,
        %swap3A_501 = vector.shape_cast %swap3A_500 : vector<1x1x16xf32> to vector<16xf32>
        %swap3A_502 = vector.shape_cast %get3A_495 : vector<16xf32> to vector<1x1x16xf32>
        tpu.vector_store %arg8[%swap3A_497, %swap3A_498, %swap3A_499], %swap3A_502 {add = true, strides = array<i32>} : memref<4x200x64xf32, #tpu.memory_space<vmem>>, vector<1x1x16xf32>,
      }
      %scan3A_265 = arith.constant 200 : i32
      %add3A_266 = arith.addi %mul3A_4, %mul3A_91 : i32
      %add3A_267 = arith.constant 0 : i32
      %add3A_268 = arith.addi %add3A_266, %add3A_267 : i32
      %dma_start3A_269 = arith.constant 0 : i32
      %dma_start3A_270 = arith.constant 0 : i32
      %dma_start3A_271 = arith.constant 0 : i32
      %dma_start3A_272 = arith.constant 0 : i32
      %dma_start3A_273 = tpu.memref_slice %arg8[%dma_start3A_269, %dma_start3A_271, %dma_start3A_272] : memref<4x200x64xf32, #tpu.memory_space<vmem>> -> memref<1x200x64xf32, #tpu.memory_space<vmem>>
      %dma_start3A_274 = tpu.memref_squeeze %dma_start3A_273 : memref<1x200x64xf32, #tpu.memory_space<vmem>> -> memref<200x64xf32, #tpu.memory_space<vmem>>
      %dma_start3A_275 = arith.constant 0 : i32
      %dma_start3A_276 = arith.constant 0 : i32
      %dma_start3A_277 = tpu.memref_slice %arg5[%add3A_268, %dma_start3A_275, %dma_start3A_276] : memref<1024x200x64xf32, #tpu.memory_space<hbm>> -> memref<1x200x64xf32, #tpu.memory_space<hbm>>
      %dma_start3A_278 = tpu.memref_squeeze %dma_start3A_277 : memref<1x200x64xf32, #tpu.memory_space<hbm>> -> memref<200x64xf32, #tpu.memory_space<hbm>>
      %dma_start3A_279 = tpu.memref_slice %arg10[%dma_start3A_270] : memref<4x!tpu.dma_semaphore, #tpu.memory_space<semaphore_mem>> -> memref<1x!tpu.dma_semaphore, #tpu.memory_space<semaphore_mem>>
      %dma_start3A_280 = tpu.memref_squeeze %dma_start3A_279 : memref<1x!tpu.dma_semaphore, #tpu.memory_space<semaphore_mem>> -> memref<!tpu.dma_semaphore, #tpu.memory_space<semaphore_mem>>
      %dma_start3A_281 = arith.constant 0 : i32
      %dma_start3A_282 = arith.constant 0 : i32
      %dma_start3A_283 = tpu.memref_slice %arg5[%add3A_268, %dma_start3A_281, %dma_start3A_282] : memref<1024x200x64xf32, #tpu.memory_space<hbm>> -> memref<1x200x64xf32, #tpu.memory_space<hbm>>
      %dma_start3A_284 = tpu.memref_squeeze %dma_start3A_283 : memref<1x200x64xf32, #tpu.memory_space<hbm>> -> memref<200x64xf32, #tpu.memory_space<hbm>>
      %dma_start3A_285 = arith.constant 0 : i32
      %dma_start3A_286 = arith.constant 0 : i32
      %dma_start3A_287 = tpu.memref_slice %arg8[%dma_start3A_269, %dma_start3A_285, %dma_start3A_286] : memref<4x200x64xf32, #tpu.memory_space<vmem>> -> memref<1x200x64xf32, #tpu.memory_space<vmem>>
      %dma_start3A_288 = tpu.memref_squeeze %dma_start3A_287 : memref<1x200x64xf32, #tpu.memory_space<vmem>> -> memref<200x64xf32, #tpu.memory_space<vmem>>
      tpu.enqueue_dma source(%dma_start3A_288 : memref<200x64xf32, #tpu.memory_space<vmem>>) target(%dma_start3A_284 : memref<200x64xf32, #tpu.memory_space<hbm>>) target_semaphore(%dma_start3A_280 : memref<!tpu.dma_semaphore, #tpu.memory_space<semaphore_mem>>)
      %dma_wait3A_289 = arith.constant 1 : i32
      %dma_wait3A_290 = arith.constant 1 : i32
      %dma_wait3A_291 = arith.constant 0 : i32
      %dma_wait3A_292 = arith.constant 0 : i32
      %dma_wait3A_293 = tpu.memref_slice %arg8[%dma_wait3A_289, %dma_wait3A_291, %dma_wait3A_292] : memref<4x200x64xf32, #tpu.memory_space<vmem>> -> memref<1x128x64xf32, #tpu.memory_space<vmem>>
      %dma_wait3A_294 = tpu.memref_squeeze %dma_wait3A_293 : memref<1x128x64xf32, #tpu.memory_space<vmem>> -> memref<128x64xf32, #tpu.memory_space<vmem>>
      %dma_wait3A_295 = tpu.memref_slice %arg6[%mul3A_133] : memref<6400xi32, #tpu.memory_space<vmem>> -> memref<128xi32, #tpu.memory_space<vmem>>
      %dma_wait3A_296 = arith.constant 0 : i32
      %dma_wait3A_297 = arith.constant 0 : i32
      %dma_wait3A_298 = tpu.memref_slice %arg3[%dma_wait3A_296, %dma_wait3A_297] : memref<1000000x64xf32, #tpu.memory_space<hbm>> -> memref<1000000x64xf32, #tpu.memory_space<hbm>>
      %dma_wait3A_299 = tpu.memref_slice %arg9[%dma_wait3A_290] : memref<4x!tpu.dma_semaphore, #tpu.memory_space<semaphore_mem>> -> memref<1x!tpu.dma_semaphore, #tpu.memory_space<semaphore_mem>>
      %dma_wait3A_300 = tpu.memref_squeeze %dma_wait3A_299 : memref<1x!tpu.dma_semaphore, #tpu.memory_space<semaphore_mem>> -> memref<!tpu.dma_semaphore, #tpu.memory_space<semaphore_mem>>
      tpu.wait_indirect_dma semaphore(%dma_wait3A_300 : memref<!tpu.dma_semaphore, #tpu.memory_space<semaphore_mem>>) src(%dma_wait3A_298 : memref<1000000x64xf32, #tpu.memory_space<hbm>>) dst(%dma_wait3A_294 : memref<128x64xf32, #tpu.memory_space<vmem>>)
      %dma_wait3A_301 = arith.constant 1 : i32
      %dma_wait3A_302 = arith.constant 1 : i32
      %dma_wait3A_303 = arith.constant 128 : i32
      %dma_wait3A_304 = arith.constant 0 : i32
      %dma_wait3A_305 = tpu.memref_slice %arg8[%dma_wait3A_301, %dma_wait3A_303, %dma_wait3A_304] : memref<4x200x64xf32, #tpu.memory_space<vmem>> -> memref<1x72x64xf32, #tpu.memory_space<vmem>>
      %dma_wait3A_306 = tpu.memref_squeeze %dma_wait3A_305 : memref<1x72x64xf32, #tpu.memory_space<vmem>> -> memref<72x64xf32, #tpu.memory_space<vmem>>
      %dma_wait3A_307 = tpu.memref_slice %arg6[%add3A_149] : memref<6400xi32, #tpu.memory_space<vmem>> -> memref<72xi32, #tpu.memory_space<vmem>>
      %dma_wait3A_308 = arith.constant 0 : i32
      %dma_wait3A_309 = arith.constant 0 : i32
      %dma_wait3A_310 = tpu.memref_slice %arg3[%dma_wait3A_308, %dma_wait3A_309] : memref<1000000x64xf32, #tpu.memory_space<hbm>> -> memref<1000000x64xf32, #tpu.memory_space<hbm>>
      %dma_wait3A_311 = tpu.memref_slice %arg9[%dma_wait3A_302] : memref<4x!tpu.dma_semaphore, #tpu.memory_space<semaphore_mem>> -> memref<1x!tpu.dma_semaphore, #tpu.memory_space<semaphore_mem>>
      %dma_wait3A_312 = tpu.memref_squeeze %dma_wait3A_311 : memref<1x!tpu.dma_semaphore, #tpu.memory_space<semaphore_mem>> -> memref<!tpu.dma_semaphore, #tpu.memory_space<semaphore_mem>>
      tpu.wait_indirect_dma semaphore(%dma_wait3A_312 : memref<!tpu.dma_semaphore, #tpu.memory_space<semaphore_mem>>) src(%dma_wait3A_310 : memref<1000000x64xf32, #tpu.memory_space<hbm>>) dst(%dma_wait3A_306 : memref<72x64xf32, #tpu.memory_space<vmem>>)
      %scan3A_313 = arith.constant 0 : i32
      %scan3A_314 = arith.constant 0 : i32
      %scan3A_315 = arith.constant 200 : i32
      %scan3A_316 = arith.addi %scan3A_314, %scan3A_315 : i32
      %scan3A_317 = arith.constant 1 : i32
      scf.for %scan3A_448 = %scan3A_314 to %scan3A_316 step %scan3A_317  : i32 {
        %mul3A_449 = arith.constant 64 : i32
        %mul3A_450 = arith.muli %scan3A_448, %mul3A_449 : i32
        %add3A_451 = arith.constant 0 : i32
        %add3A_452 = arith.addi %mul3A_450, %add3A_451 : i32
        %get3A = arith.index_cast %add3A_452 : i32 to index
        %get3A_453 = tpu.vector_load %arg7[%get3A] {strides = array<i32>} : memref<12800xf32, #tpu.memory_space<vmem>>, vector<16xf32>,
        %get3A_454 = vector.shape_cast %get3A_453 : vector<16xf32> to vector<16xf32>
        %swap3A = arith.constant 1 : i32
        %swap3A_455 = arith.index_cast %swap3A : i32 to index
        %swap3A_456 = arith.index_cast %scan3A_448 : i32 to index
        %swap3A_457 = arith.constant 0 : index
        %swap3A_458 = tpu.vector_load %arg8[%swap3A_455, %swap3A_456, %swap3A_457] {strides = array<i32>} : memref<4x200x64xf32, #tpu.memory_space<vmem>>, vector<1x1x16xf32>,
        %swap3A_459 = vector.shape_cast %swap3A_458 : vector<1x1x16xf32> to vector<16xf32>
        %swap3A_460 = vector.shape_cast %get3A_454 : vector<16xf32> to vector<1x1x16xf32>
        tpu.vector_store %arg8[%swap3A_455, %swap3A_456, %swap3A_457], %swap3A_460 {add = true, strides = array<i32>} : memref<4x200x64xf32, #tpu.memory_space<vmem>>, vector<1x1x16xf32>,
        %mul3A_461 = arith.constant 64 : i32
        %mul3A_462 = arith.muli %scan3A_448, %mul3A_461 : i32
        %add3A_463 = arith.constant 16 : i32
        %add3A_464 = arith.addi %mul3A_462, %add3A_463 : i32
        %get3A_465 = arith.index_cast %add3A_464 : i32 to index
        %get3A_466 = tpu.vector_load %arg7[%get3A_465] {strides = array<i32>} : memref<12800xf32, #tpu.memory_space<vmem>>, vector<16xf32>,
        %get3A_467 = vector.shape_cast %get3A_466 : vector<16xf32> to vector<16xf32>
        %swap3A_468 = arith.constant 1 : i32
        %swap3A_469 = arith.index_cast %swap3A_468 : i32 to index
        %swap3A_470 = arith.index_cast %scan3A_448 : i32 to index
        %swap3A_471 = arith.constant 16 : index
        %swap3A_472 = tpu.vector_load %arg8[%swap3A_469, %swap3A_470, %swap3A_471] {strides = array<i32>} : memref<4x200x64xf32, #tpu.memory_space<vmem>>, vector<1x1x16xf32>,
        %swap3A_473 = vector.shape_cast %swap3A_472 : vector<1x1x16xf32> to vector<16xf32>
        %swap3A_474 = vector.shape_cast %get3A_467 : vector<16xf32> to vector<1x1x16xf32>
        tpu.vector_store %arg8[%swap3A_469, %swap3A_470, %swap3A_471], %swap3A_474 {add = true, strides = array<i32>} : memref<4x200x64xf32, #tpu.memory_space<vmem>>, vector<1x1x16xf32>,
        %mul3A_475 = arith.constant 64 : i32
        %mul3A_476 = arith.muli %scan3A_448, %mul3A_475 : i32
        %add3A_477 = arith.constant 32 : i32
        %add3A_478 = arith.addi %mul3A_476, %add3A_477 : i32
        %get3A_479 = arith.index_cast %add3A_478 : i32 to index
        %get3A_480 = tpu.vector_load %arg7[%get3A_479] {strides = array<i32>} : memref<12800xf32, #tpu.memory_space<vmem>>, vector<16xf32>,
        %get3A_481 = vector.shape_cast %get3A_480 : vector<16xf32> to vector<16xf32>
        %swap3A_482 = arith.constant 1 : i32
        %swap3A_483 = arith.index_cast %swap3A_482 : i32 to index
        %swap3A_484 = arith.index_cast %scan3A_448 : i32 to index
        %swap3A_485 = arith.constant 32 : index
        %swap3A_486 = tpu.vector_load %arg8[%swap3A_483, %swap3A_484, %swap3A_485] {strides = array<i32>} : memref<4x200x64xf32, #tpu.memory_space<vmem>>, vector<1x1x16xf32>,
        %swap3A_487 = vector.shape_cast %swap3A_486 : vector<1x1x16xf32> to vector<16xf32>
        %swap3A_488 = vector.shape_cast %get3A_481 : vector<16xf32> to vector<1x1x16xf32>
        tpu.vector_store %arg8[%swap3A_483, %swap3A_484, %swap3A_485], %swap3A_488 {add = true, strides = array<i32>} : memref<4x200x64xf32, #tpu.memory_space<vmem>>, vector<1x1x16xf32>,
        %mul3A_489 = arith.constant 64 : i32
        %mul3A_490 = arith.muli %scan3A_448, %mul3A_489 : i32
        %add3A_491 = arith.constant 48 : i32
        %add3A_492 = arith.addi %mul3A_490, %add3A_491 : i32
        %get3A_493 = arith.index_cast %add3A_492 : i32 to index
        %get3A_494 = tpu.vector_load %arg7[%get3A_493] {strides = array<i32>} : memref<12800xf32, #tpu.memory_space<vmem>>, vector<16xf32>,
        %get3A_495 = vector.shape_cast %get3A_494 : vector<16xf32> to vector<16xf32>
        %swap3A_496 = arith.constant 1 : i32
        %swap3A_497 = arith.index_cast %swap3A_496 : i32 to index
        %swap3A_498 = arith.index_cast %scan3A_448 : i32 to index
        %swap3A_499 = arith.constant 48 : index
        %swap3A_500 = tpu.vector_load %arg8[%swap3A_497, %swap3A_498, %swap3A_499] {strides = array<i32>} : memref<4x200x64xf32, #tpu.memory_space<vmem>>, vector<1x1x16xf32>,
        %swap3A_501 = vector.shape_cast %swap3A_500 : vector<1x1x16xf32> to vector<16xf32>
        %swap3A_502 = vector.shape_cast %get3A_495 : vector<16xf32> to vector<1x1x16xf32>
        tpu.vector_store %arg8[%swap3A_497, %swap3A_498, %swap3A_499], %swap3A_502 {add = true, strides = array<i32>} : memref<4x200x64xf32, #tpu.memory_space<vmem>>, vector<1x1x16xf32>,
      }
      %scan3A_318 = arith.constant 200 : i32
      %add3A_319 = arith.addi %mul3A_4, %mul3A_91 : i32
      %add3A_320 = arith.constant 1 : i32
      %add3A_321 = arith.addi %add3A_319, %add3A_320 : i32
      %dma_start3A_322 = arith.constant 1 : i32
      %dma_start3A_323 = arith.constant 1 : i32
      %dma_start3A_324 = arith.constant 0 : i32
      %dma_start3A_325 = arith.constant 0 : i32
      %dma_start3A_326 = tpu.memref_slice %arg8[%dma_start3A_322, %dma_start3A_324, %dma_start3A_325] : memref<4x200x64xf32, #tpu.memory_space<vmem>> -> memref<1x200x64xf32, #tpu.memory_space<vmem>>
      %dma_start3A_327 = tpu.memref_squeeze %dma_start3A_326 : memref<1x200x64xf32, #tpu.memory_space<vmem>> -> memref<200x64xf32, #tpu.memory_space<vmem>>
      %dma_start3A_328 = arith.constant 0 : i32
      %dma_start3A_329 = arith.constant 0 : i32
      %dma_start3A_330 = tpu.memref_slice %arg5[%add3A_321, %dma_start3A_328, %dma_start3A_329] : memref<1024x200x64xf32, #tpu.memory_space<hbm>> -> memref<1x200x64xf32, #tpu.memory_space<hbm>>
      %dma_start3A_331 = tpu.memref_squeeze %dma_start3A_330 : memref<1x200x64xf32, #tpu.memory_space<hbm>> -> memref<200x64xf32, #tpu.memory_space<hbm>>
      %dma_start3A_332 = tpu.memref_slice %arg10[%dma_start3A_323] : memref<4x!tpu.dma_semaphore, #tpu.memory_space<semaphore_mem>> -> memref<1x!tpu.dma_semaphore, #tpu.memory_space<semaphore_mem>>
      %dma_start3A_333 = tpu.memref_squeeze %dma_start3A_332 : memref<1x!tpu.dma_semaphore, #tpu.memory_space<semaphore_mem>> -> memref<!tpu.dma_semaphore, #tpu.memory_space<semaphore_mem>>
      %dma_start3A_334 = arith.constant 0 : i32
      %dma_start3A_335 = arith.constant 0 : i32
      %dma_start3A_336 = tpu.memref_slice %arg5[%add3A_321, %dma_start3A_334, %dma_start3A_335] : memref<1024x200x64xf32, #tpu.memory_space<hbm>> -> memref<1x200x64xf32, #tpu.memory_space<hbm>>
      %dma_start3A_337 = tpu.memref_squeeze %dma_start3A_336 : memref<1x200x64xf32, #tpu.memory_space<hbm>> -> memref<200x64xf32, #tpu.memory_space<hbm>>
      %dma_start3A_338 = arith.constant 0 : i32
      %dma_start3A_339 = arith.constant 0 : i32
      %dma_start3A_340 = tpu.memref_slice %arg8[%dma_start3A_322, %dma_start3A_338, %dma_start3A_339] : memref<4x200x64xf32, #tpu.memory_space<vmem>> -> memref<1x200x64xf32, #tpu.memory_space<vmem>>
      %dma_start3A_341 = tpu.memref_squeeze %dma_start3A_340 : memref<1x200x64xf32, #tpu.memory_space<vmem>> -> memref<200x64xf32, #tpu.memory_space<vmem>>
      tpu.enqueue_dma source(%dma_start3A_341 : memref<200x64xf32, #tpu.memory_space<vmem>>) target(%dma_start3A_337 : memref<200x64xf32, #tpu.memory_space<hbm>>) target_semaphore(%dma_start3A_333 : memref<!tpu.dma_semaphore, #tpu.memory_space<semaphore_mem>>)
      %dma_wait3A_342 = arith.constant 2 : i32
      %dma_wait3A_343 = arith.constant 2 : i32
      %dma_wait3A_344 = arith.constant 0 : i32
      %dma_wait3A_345 = arith.constant 0 : i32
      %dma_wait3A_346 = tpu.memref_slice %arg8[%dma_wait3A_342, %dma_wait3A_344, %dma_wait3A_345] : memref<4x200x64xf32, #tpu.memory_space<vmem>> -> memref<1x128x64xf32, #tpu.memory_space<vmem>>
      %dma_wait3A_347 = tpu.memref_squeeze %dma_wait3A_346 : memref<1x128x64xf32, #tpu.memory_space<vmem>> -> memref<128x64xf32, #tpu.memory_space<vmem>>
      %dma_wait3A_348 = tpu.memref_slice %arg6[%mul3A_170] : memref<6400xi32, #tpu.memory_space<vmem>> -> memref<128xi32, #tpu.memory_space<vmem>>
      %dma_wait3A_349 = arith.constant 0 : i32
      %dma_wait3A_350 = arith.constant 0 : i32
      %dma_wait3A_351 = tpu.memref_slice %arg3[%dma_wait3A_349, %dma_wait3A_350] : memref<1000000x64xf32, #tpu.memory_space<hbm>> -> memref<1000000x64xf32, #tpu.memory_space<hbm>>
      %dma_wait3A_352 = tpu.memref_slice %arg9[%dma_wait3A_343] : memref<4x!tpu.dma_semaphore, #tpu.memory_space<semaphore_mem>> -> memref<1x!tpu.dma_semaphore, #tpu.memory_space<semaphore_mem>>
      %dma_wait3A_353 = tpu.memref_squeeze %dma_wait3A_352 : memref<1x!tpu.dma_semaphore, #tpu.memory_space<semaphore_mem>> -> memref<!tpu.dma_semaphore, #tpu.memory_space<semaphore_mem>>
      tpu.wait_indirect_dma semaphore(%dma_wait3A_353 : memref<!tpu.dma_semaphore, #tpu.memory_space<semaphore_mem>>) src(%dma_wait3A_351 : memref<1000000x64xf32, #tpu.memory_space<hbm>>) dst(%dma_wait3A_347 : memref<128x64xf32, #tpu.memory_space<vmem>>)
      %dma_wait3A_354 = arith.constant 2 : i32
      %dma_wait3A_355 = arith.constant 2 : i32
      %dma_wait3A_356 = arith.constant 128 : i32
      %dma_wait3A_357 = arith.constant 0 : i32
      %dma_wait3A_358 = tpu.memref_slice %arg8[%dma_wait3A_354, %dma_wait3A_356, %dma_wait3A_357] : memref<4x200x64xf32, #tpu.memory_space<vmem>> -> memref<1x72x64xf32, #tpu.memory_space<vmem>>
      %dma_wait3A_359 = tpu.memref_squeeze %dma_wait3A_358 : memref<1x72x64xf32, #tpu.memory_space<vmem>> -> memref<72x64xf32, #tpu.memory_space<vmem>>
      %dma_wait3A_360 = tpu.memref_slice %arg6[%add3A_186] : memref<6400xi32, #tpu.memory_space<vmem>> -> memref<72xi32, #tpu.memory_space<vmem>>
      %dma_wait3A_361 = arith.constant 0 : i32
      %dma_wait3A_362 = arith.constant 0 : i32
      %dma_wait3A_363 = tpu.memref_slice %arg3[%dma_wait3A_361, %dma_wait3A_362] : memref<1000000x64xf32, #tpu.memory_space<hbm>> -> memref<1000000x64xf32, #tpu.memory_space<hbm>>
      %dma_wait3A_364 = tpu.memref_slice %arg9[%dma_wait3A_355] : memref<4x!tpu.dma_semaphore, #tpu.memory_space<semaphore_mem>> -> memref<1x!tpu.dma_semaphore, #tpu.memory_space<semaphore_mem>>
      %dma_wait3A_365 = tpu.memref_squeeze %dma_wait3A_364 : memref<1x!tpu.dma_semaphore, #tpu.memory_space<semaphore_mem>> -> memref<!tpu.dma_semaphore, #tpu.memory_space<semaphore_mem>>
      tpu.wait_indirect_dma semaphore(%dma_wait3A_365 : memref<!tpu.dma_semaphore, #tpu.memory_space<semaphore_mem>>) src(%dma_wait3A_363 : memref<1000000x64xf32, #tpu.memory_space<hbm>>) dst(%dma_wait3A_359 : memref<72x64xf32, #tpu.memory_space<vmem>>)
      %scan3A_366 = arith.constant 0 : i32
      %scan3A_367 = arith.constant 0 : i32
      %scan3A_368 = arith.constant 200 : i32
      %scan3A_369 = arith.addi %scan3A_367, %scan3A_368 : i32
      %scan3A_370 = arith.constant 1 : i32
      scf.for %scan3A_448 = %scan3A_367 to %scan3A_369 step %scan3A_370  : i32 {
        %mul3A_449 = arith.constant 64 : i32
        %mul3A_450 = arith.muli %scan3A_448, %mul3A_449 : i32
        %add3A_451 = arith.constant 0 : i32
        %add3A_452 = arith.addi %mul3A_450, %add3A_451 : i32
        %get3A = arith.index_cast %add3A_452 : i32 to index
        %get3A_453 = tpu.vector_load %arg7[%get3A] {strides = array<i32>} : memref<12800xf32, #tpu.memory_space<vmem>>, vector<16xf32>,
        %get3A_454 = vector.shape_cast %get3A_453 : vector<16xf32> to vector<16xf32>
        %swap3A = arith.constant 2 : i32
        %swap3A_455 = arith.index_cast %swap3A : i32 to index
        %swap3A_456 = arith.index_cast %scan3A_448 : i32 to index
        %swap3A_457 = arith.constant 0 : index
        %swap3A_458 = tpu.vector_load %arg8[%swap3A_455, %swap3A_456, %swap3A_457] {strides = array<i32>} : memref<4x200x64xf32, #tpu.memory_space<vmem>>, vector<1x1x16xf32>,
        %swap3A_459 = vector.shape_cast %swap3A_458 : vector<1x1x16xf32> to vector<16xf32>
        %swap3A_460 = vector.shape_cast %get3A_454 : vector<16xf32> to vector<1x1x16xf32>
        tpu.vector_store %arg8[%swap3A_455, %swap3A_456, %swap3A_457], %swap3A_460 {add = true, strides = array<i32>} : memref<4x200x64xf32, #tpu.memory_space<vmem>>, vector<1x1x16xf32>,
        %mul3A_461 = arith.constant 64 : i32
        %mul3A_462 = arith.muli %scan3A_448, %mul3A_461 : i32
        %add3A_463 = arith.constant 16 : i32
        %add3A_464 = arith.addi %mul3A_462, %add3A_463 : i32
        %get3A_465 = arith.index_cast %add3A_464 : i32 to index
        %get3A_466 = tpu.vector_load %arg7[%get3A_465] {strides = array<i32>} : memref<12800xf32, #tpu.memory_space<vmem>>, vector<16xf32>,
        %get3A_467 = vector.shape_cast %get3A_466 : vector<16xf32> to vector<16xf32>
        %swap3A_468 = arith.constant 2 : i32
        %swap3A_469 = arith.index_cast %swap3A_468 : i32 to index
        %swap3A_470 = arith.index_cast %scan3A_448 : i32 to index
        %swap3A_471 = arith.constant 16 : index
        %swap3A_472 = tpu.vector_load %arg8[%swap3A_469, %swap3A_470, %swap3A_471] {strides = array<i32>} : memref<4x200x64xf32, #tpu.memory_space<vmem>>, vector<1x1x16xf32>,
        %swap3A_473 = vector.shape_cast %swap3A_472 : vector<1x1x16xf32> to vector<16xf32>
        %swap3A_474 = vector.shape_cast %get3A_467 : vector<16xf32> to vector<1x1x16xf32>
        tpu.vector_store %arg8[%swap3A_469, %swap3A_470, %swap3A_471], %swap3A_474 {add = true, strides = array<i32>} : memref<4x200x64xf32, #tpu.memory_space<vmem>>, vector<1x1x16xf32>,
        %mul3A_475 = arith.constant 64 : i32
        %mul3A_476 = arith.muli %scan3A_448, %mul3A_475 : i32
        %add3A_477 = arith.constant 32 : i32
        %add3A_478 = arith.addi %mul3A_476, %add3A_477 : i32
        %get3A_479 = arith.index_cast %add3A_478 : i32 to index
        %get3A_480 = tpu.vector_load %arg7[%get3A_479] {strides = array<i32>} : memref<12800xf32, #tpu.memory_space<vmem>>, vector<16xf32>,
        %get3A_481 = vector.shape_cast %get3A_480 : vector<16xf32> to vector<16xf32>
        %swap3A_482 = arith.constant 2 : i32
        %swap3A_483 = arith.index_cast %swap3A_482 : i32 to index
        %swap3A_484 = arith.index_cast %scan3A_448 : i32 to index
        %swap3A_485 = arith.constant 32 : index
        %swap3A_486 = tpu.vector_load %arg8[%swap3A_483, %swap3A_484, %swap3A_485] {strides = array<i32>} : memref<4x200x64xf32, #tpu.memory_space<vmem>>, vector<1x1x16xf32>,
        %swap3A_487 = vector.shape_cast %swap3A_486 : vector<1x1x16xf32> to vector<16xf32>
        %swap3A_488 = vector.shape_cast %get3A_481 : vector<16xf32> to vector<1x1x16xf32>
        tpu.vector_store %arg8[%swap3A_483, %swap3A_484, %swap3A_485], %swap3A_488 {add = true, strides = array<i32>} : memref<4x200x64xf32, #tpu.memory_space<vmem>>, vector<1x1x16xf32>,
        %mul3A_489 = arith.constant 64 : i32
        %mul3A_490 = arith.muli %scan3A_448, %mul3A_489 : i32
        %add3A_491 = arith.constant 48 : i32
        %add3A_492 = arith.addi %mul3A_490, %add3A_491 : i32
        %get3A_493 = arith.index_cast %add3A_492 : i32 to index
        %get3A_494 = tpu.vector_load %arg7[%get3A_493] {strides = array<i32>} : memref<12800xf32, #tpu.memory_space<vmem>>, vector<16xf32>,
        %get3A_495 = vector.shape_cast %get3A_494 : vector<16xf32> to vector<16xf32>
        %swap3A_496 = arith.constant 2 : i32
        %swap3A_497 = arith.index_cast %swap3A_496 : i32 to index
        %swap3A_498 = arith.index_cast %scan3A_448 : i32 to index
        %swap3A_499 = arith.constant 48 : index
        %swap3A_500 = tpu.vector_load %arg8[%swap3A_497, %swap3A_498, %swap3A_499] {strides = array<i32>} : memref<4x200x64xf32, #tpu.memory_space<vmem>>, vector<1x1x16xf32>,
        %swap3A_501 = vector.shape_cast %swap3A_500 : vector<1x1x16xf32> to vector<16xf32>
        %swap3A_502 = vector.shape_cast %get3A_495 : vector<16xf32> to vector<1x1x16xf32>
        tpu.vector_store %arg8[%swap3A_497, %swap3A_498, %swap3A_499], %swap3A_502 {add = true, strides = array<i32>} : memref<4x200x64xf32, #tpu.memory_space<vmem>>, vector<1x1x16xf32>,
      }
      %scan3A_371 = arith.constant 200 : i32
      %add3A_372 = arith.addi %mul3A_4, %mul3A_91 : i32
      %add3A_373 = arith.constant 2 : i32
      %add3A_374 = arith.addi %add3A_372, %add3A_373 : i32
      %dma_start3A_375 = arith.constant 2 : i32
      %dma_start3A_376 = arith.constant 2 : i32
      %dma_start3A_377 = arith.constant 0 : i32
      %dma_start3A_378 = arith.constant 0 : i32
      %dma_start3A_379 = tpu.memref_slice %arg8[%dma_start3A_375, %dma_start3A_377, %dma_start3A_378] : memref<4x200x64xf32, #tpu.memory_space<vmem>> -> memref<1x200x64xf32, #tpu.memory_space<vmem>>
      %dma_start3A_380 = tpu.memref_squeeze %dma_start3A_379 : memref<1x200x64xf32, #tpu.memory_space<vmem>> -> memref<200x64xf32, #tpu.memory_space<vmem>>
      %dma_start3A_381 = arith.constant 0 : i32
      %dma_start3A_382 = arith.constant 0 : i32
      %dma_start3A_383 = tpu.memref_slice %arg5[%add3A_374, %dma_start3A_381, %dma_start3A_382] : memref<1024x200x64xf32, #tpu.memory_space<hbm>> -> memref<1x200x64xf32, #tpu.memory_space<hbm>>
      %dma_start3A_384 = tpu.memref_squeeze %dma_start3A_383 : memref<1x200x64xf32, #tpu.memory_space<hbm>> -> memref<200x64xf32, #tpu.memory_space<hbm>>
      %dma_start3A_385 = tpu.memref_slice %arg10[%dma_start3A_376] : memref<4x!tpu.dma_semaphore, #tpu.memory_space<semaphore_mem>> -> memref<1x!tpu.dma_semaphore, #tpu.memory_space<semaphore_mem>>
      %dma_start3A_386 = tpu.memref_squeeze %dma_start3A_385 : memref<1x!tpu.dma_semaphore, #tpu.memory_space<semaphore_mem>> -> memref<!tpu.dma_semaphore, #tpu.memory_space<semaphore_mem>>
      %dma_start3A_387 = arith.constant 0 : i32
      %dma_start3A_388 = arith.constant 0 : i32
      %dma_start3A_389 = tpu.memref_slice %arg5[%add3A_374, %dma_start3A_387, %dma_start3A_388] : memref<1024x200x64xf32, #tpu.memory_space<hbm>> -> memref<1x200x64xf32, #tpu.memory_space<hbm>>
      %dma_start3A_390 = tpu.memref_squeeze %dma_start3A_389 : memref<1x200x64xf32, #tpu.memory_space<hbm>> -> memref<200x64xf32, #tpu.memory_space<hbm>>
      %dma_start3A_391 = arith.constant 0 : i32
      %dma_start3A_392 = arith.constant 0 : i32
      %dma_start3A_393 = tpu.memref_slice %arg8[%dma_start3A_375, %dma_start3A_391, %dma_start3A_392] : memref<4x200x64xf32, #tpu.memory_space<vmem>> -> memref<1x200x64xf32, #tpu.memory_space<vmem>>
      %dma_start3A_394 = tpu.memref_squeeze %dma_start3A_393 : memref<1x200x64xf32, #tpu.memory_space<vmem>> -> memref<200x64xf32, #tpu.memory_space<vmem>>
      tpu.enqueue_dma source(%dma_start3A_394 : memref<200x64xf32, #tpu.memory_space<vmem>>) target(%dma_start3A_390 : memref<200x64xf32, #tpu.memory_space<hbm>>) target_semaphore(%dma_start3A_386 : memref<!tpu.dma_semaphore, #tpu.memory_space<semaphore_mem>>)
      %dma_wait3A_395 = arith.constant 3 : i32
      %dma_wait3A_396 = arith.constant 3 : i32
      %dma_wait3A_397 = arith.constant 0 : i32
      %dma_wait3A_398 = arith.constant 0 : i32
      %dma_wait3A_399 = tpu.memref_slice %arg8[%dma_wait3A_395, %dma_wait3A_397, %dma_wait3A_398] : memref<4x200x64xf32, #tpu.memory_space<vmem>> -> memref<1x128x64xf32, #tpu.memory_space<vmem>>
      %dma_wait3A_400 = tpu.memref_squeeze %dma_wait3A_399 : memref<1x128x64xf32, #tpu.memory_space<vmem>> -> memref<128x64xf32, #tpu.memory_space<vmem>>
      %dma_wait3A_401 = tpu.memref_slice %arg6[%mul3A_207] : memref<6400xi32, #tpu.memory_space<vmem>> -> memref<128xi32, #tpu.memory_space<vmem>>
      %dma_wait3A_402 = arith.constant 0 : i32
      %dma_wait3A_403 = arith.constant 0 : i32
      %dma_wait3A_404 = tpu.memref_slice %arg3[%dma_wait3A_402, %dma_wait3A_403] : memref<1000000x64xf32, #tpu.memory_space<hbm>> -> memref<1000000x64xf32, #tpu.memory_space<hbm>>
      %dma_wait3A_405 = tpu.memref_slice %arg9[%dma_wait3A_396] : memref<4x!tpu.dma_semaphore, #tpu.memory_space<semaphore_mem>> -> memref<1x!tpu.dma_semaphore, #tpu.memory_space<semaphore_mem>>
      %dma_wait3A_406 = tpu.memref_squeeze %dma_wait3A_405 : memref<1x!tpu.dma_semaphore, #tpu.memory_space<semaphore_mem>> -> memref<!tpu.dma_semaphore, #tpu.memory_space<semaphore_mem>>
      tpu.wait_indirect_dma semaphore(%dma_wait3A_406 : memref<!tpu.dma_semaphore, #tpu.memory_space<semaphore_mem>>) src(%dma_wait3A_404 : memref<1000000x64xf32, #tpu.memory_space<hbm>>) dst(%dma_wait3A_400 : memref<128x64xf32, #tpu.memory_space<vmem>>)
      %dma_wait3A_407 = arith.constant 3 : i32
      %dma_wait3A_408 = arith.constant 3 : i32
      %dma_wait3A_409 = arith.constant 128 : i32
      %dma_wait3A_410 = arith.constant 0 : i32
      %dma_wait3A_411 = tpu.memref_slice %arg8[%dma_wait3A_407, %dma_wait3A_409, %dma_wait3A_410] : memref<4x200x64xf32, #tpu.memory_space<vmem>> -> memref<1x72x64xf32, #tpu.memory_space<vmem>>
      %dma_wait3A_412 = tpu.memref_squeeze %dma_wait3A_411 : memref<1x72x64xf32, #tpu.memory_space<vmem>> -> memref<72x64xf32, #tpu.memory_space<vmem>>
      %dma_wait3A_413 = tpu.memref_slice %arg6[%add3A_223] : memref<6400xi32, #tpu.memory_space<vmem>> -> memref<72xi32, #tpu.memory_space<vmem>>
      %dma_wait3A_414 = arith.constant 0 : i32
      %dma_wait3A_415 = arith.constant 0 : i32
      %dma_wait3A_416 = tpu.memref_slice %arg3[%dma_wait3A_414, %dma_wait3A_415] : memref<1000000x64xf32, #tpu.memory_space<hbm>> -> memref<1000000x64xf32, #tpu.memory_space<hbm>>
      %dma_wait3A_417 = tpu.memref_slice %arg9[%dma_wait3A_408] : memref<4x!tpu.dma_semaphore, #tpu.memory_space<semaphore_mem>> -> memref<1x!tpu.dma_semaphore, #tpu.memory_space<semaphore_mem>>
      %dma_wait3A_418 = tpu.memref_squeeze %dma_wait3A_417 : memref<1x!tpu.dma_semaphore, #tpu.memory_space<semaphore_mem>> -> memref<!tpu.dma_semaphore, #tpu.memory_space<semaphore_mem>>
      tpu.wait_indirect_dma semaphore(%dma_wait3A_418 : memref<!tpu.dma_semaphore, #tpu.memory_space<semaphore_mem>>) src(%dma_wait3A_416 : memref<1000000x64xf32, #tpu.memory_space<hbm>>) dst(%dma_wait3A_412 : memref<72x64xf32, #tpu.memory_space<vmem>>)
      %scan3A_419 = arith.constant 0 : i32
      %scan3A_420 = arith.constant 0 : i32
      %scan3A_421 = arith.constant 200 : i32
      %scan3A_422 = arith.addi %scan3A_420, %scan3A_421 : i32
      %scan3A_423 = arith.constant 1 : i32
      scf.for %scan3A_448 = %scan3A_420 to %scan3A_422 step %scan3A_423  : i32 {
        %mul3A_449 = arith.constant 64 : i32
        %mul3A_450 = arith.muli %scan3A_448, %mul3A_449 : i32
        %add3A_451 = arith.constant 0 : i32
        %add3A_452 = arith.addi %mul3A_450, %add3A_451 : i32
        %get3A = arith.index_cast %add3A_452 : i32 to index
        %get3A_453 = tpu.vector_load %arg7[%get3A] {strides = array<i32>} : memref<12800xf32, #tpu.memory_space<vmem>>, vector<16xf32>,
        %get3A_454 = vector.shape_cast %get3A_453 : vector<16xf32> to vector<16xf32>
        %swap3A = arith.constant 3 : i32
        %swap3A_455 = arith.index_cast %swap3A : i32 to index
        %swap3A_456 = arith.index_cast %scan3A_448 : i32 to index
        %swap3A_457 = arith.constant 0 : index
        %swap3A_458 = tpu.vector_load %arg8[%swap3A_455, %swap3A_456, %swap3A_457] {strides = array<i32>} : memref<4x200x64xf32, #tpu.memory_space<vmem>>, vector<1x1x16xf32>,
        %swap3A_459 = vector.shape_cast %swap3A_458 : vector<1x1x16xf32> to vector<16xf32>
        %swap3A_460 = vector.shape_cast %get3A_454 : vector<16xf32> to vector<1x1x16xf32>
        tpu.vector_store %arg8[%swap3A_455, %swap3A_456, %swap3A_457], %swap3A_460 {add = true, strides = array<i32>} : memref<4x200x64xf32, #tpu.memory_space<vmem>>, vector<1x1x16xf32>,
        %mul3A_461 = arith.constant 64 : i32
        %mul3A_462 = arith.muli %scan3A_448, %mul3A_461 : i32
        %add3A_463 = arith.constant 16 : i32
        %add3A_464 = arith.addi %mul3A_462, %add3A_463 : i32
        %get3A_465 = arith.index_cast %add3A_464 : i32 to index
        %get3A_466 = tpu.vector_load %arg7[%get3A_465] {strides = array<i32>} : memref<12800xf32, #tpu.memory_space<vmem>>, vector<16xf32>,
        %get3A_467 = vector.shape_cast %get3A_466 : vector<16xf32> to vector<16xf32>
        %swap3A_468 = arith.constant 3 : i32
        %swap3A_469 = arith.index_cast %swap3A_468 : i32 to index
        %swap3A_470 = arith.index_cast %scan3A_448 : i32 to index
        %swap3A_471 = arith.constant 16 : index
        %swap3A_472 = tpu.vector_load %arg8[%swap3A_469, %swap3A_470, %swap3A_471] {strides = array<i32>} : memref<4x200x64xf32, #tpu.memory_space<vmem>>, vector<1x1x16xf32>,
        %swap3A_473 = vector.shape_cast %swap3A_472 : vector<1x1x16xf32> to vector<16xf32>
        %swap3A_474 = vector.shape_cast %get3A_467 : vector<16xf32> to vector<1x1x16xf32>
        tpu.vector_store %arg8[%swap3A_469, %swap3A_470, %swap3A_471], %swap3A_474 {add = true, strides = array<i32>} : memref<4x200x64xf32, #tpu.memory_space<vmem>>, vector<1x1x16xf32>,
        %mul3A_475 = arith.constant 64 : i32
        %mul3A_476 = arith.muli %scan3A_448, %mul3A_475 : i32
        %add3A_477 = arith.constant 32 : i32
        %add3A_478 = arith.addi %mul3A_476, %add3A_477 : i32
        %get3A_479 = arith.index_cast %add3A_478 : i32 to index
        %get3A_480 = tpu.vector_load %arg7[%get3A_479] {strides = array<i32>} : memref<12800xf32, #tpu.memory_space<vmem>>, vector<16xf32>,
        %get3A_481 = vector.shape_cast %get3A_480 : vector<16xf32> to vector<16xf32>
        %swap3A_482 = arith.constant 3 : i32
        %swap3A_483 = arith.index_cast %swap3A_482 : i32 to index
        %swap3A_484 = arith.index_cast %scan3A_448 : i32 to index
        %swap3A_485 = arith.constant 32 : index
        %swap3A_486 = tpu.vector_load %arg8[%swap3A_483, %swap3A_484, %swap3A_485] {strides = array<i32>} : memref<4x200x64xf32, #tpu.memory_space<vmem>>, vector<1x1x16xf32>,
        %swap3A_487 = vector.shape_cast %swap3A_486 : vector<1x1x16xf32> to vector<16xf32>
        %swap3A_488 = vector.shape_cast %get3A_481 : vector<16xf32> to vector<1x1x16xf32>
        tpu.vector_store %arg8[%swap3A_483, %swap3A_484, %swap3A_485], %swap3A_488 {add = true, strides = array<i32>} : memref<4x200x64xf32, #tpu.memory_space<vmem>>, vector<1x1x16xf32>,
        %mul3A_489 = arith.constant 64 : i32
        %mul3A_490 = arith.muli %scan3A_448, %mul3A_489 : i32
        %add3A_491 = arith.constant 48 : i32
        %add3A_492 = arith.addi %mul3A_490, %add3A_491 : i32
        %get3A_493 = arith.index_cast %add3A_492 : i32 to index
        %get3A_494 = tpu.vector_load %arg7[%get3A_493] {strides = array<i32>} : memref<12800xf32, #tpu.memory_space<vmem>>, vector<16xf32>,
        %get3A_495 = vector.shape_cast %get3A_494 : vector<16xf32> to vector<16xf32>
        %swap3A_496 = arith.constant 3 : i32
        %swap3A_497 = arith.index_cast %swap3A_496 : i32 to index
        %swap3A_498 = arith.index_cast %scan3A_448 : i32 to index
        %swap3A_499 = arith.constant 48 : index
        %swap3A_500 = tpu.vector_load %arg8[%swap3A_497, %swap3A_498, %swap3A_499] {strides = array<i32>} : memref<4x200x64xf32, #tpu.memory_space<vmem>>, vector<1x1x16xf32>,
        %swap3A_501 = vector.shape_cast %swap3A_500 : vector<1x1x16xf32> to vector<16xf32>
        %swap3A_502 = vector.shape_cast %get3A_495 : vector<16xf32> to vector<1x1x16xf32>
        tpu.vector_store %arg8[%swap3A_497, %swap3A_498, %swap3A_499], %swap3A_502 {add = true, strides = array<i32>} : memref<4x200x64xf32, #tpu.memory_space<vmem>>, vector<1x1x16xf32>,
      }
      %scan3A_424 = arith.constant 200 : i32
      %add3A_425 = arith.addi %mul3A_4, %mul3A_91 : i32
      %add3A_426 = arith.constant 3 : i32
      %add3A_427 = arith.addi %add3A_425, %add3A_426 : i32
      %dma_start3A_428 = arith.constant 3 : i32
      %dma_start3A_429 = arith.constant 3 : i32
      %dma_start3A_430 = arith.constant 0 : i32
      %dma_start3A_431 = arith.constant 0 : i32
      %dma_start3A_432 = tpu.memref_slice %arg8[%dma_start3A_428, %dma_start3A_430, %dma_start3A_431] : memref<4x200x64xf32, #tpu.memory_space<vmem>> -> memref<1x200x64xf32, #tpu.memory_space<vmem>>
      %dma_start3A_433 = tpu.memref_squeeze %dma_start3A_432 : memref<1x200x64xf32, #tpu.memory_space<vmem>> -> memref<200x64xf32, #tpu.memory_space<vmem>>
      %dma_start3A_434 = arith.constant 0 : i32
      %dma_start3A_435 = arith.constant 0 : i32
      %dma_start3A_436 = tpu.memref_slice %arg5[%add3A_427, %dma_start3A_434, %dma_start3A_435] : memref<1024x200x64xf32, #tpu.memory_space<hbm>> -> memref<1x200x64xf32, #tpu.memory_space<hbm>>
      %dma_start3A_437 = tpu.memref_squeeze %dma_start3A_436 : memref<1x200x64xf32, #tpu.memory_space<hbm>> -> memref<200x64xf32, #tpu.memory_space<hbm>>
      %dma_start3A_438 = tpu.memref_slice %arg10[%dma_start3A_429] : memref<4x!tpu.dma_semaphore, #tpu.memory_space<semaphore_mem>> -> memref<1x!tpu.dma_semaphore, #tpu.memory_space<semaphore_mem>>
      %dma_start3A_439 = tpu.memref_squeeze %dma_start3A_438 : memref<1x!tpu.dma_semaphore, #tpu.memory_space<semaphore_mem>> -> memref<!tpu.dma_semaphore, #tpu.memory_space<semaphore_mem>>
      %dma_start3A_440 = arith.constant 0 : i32
      %dma_start3A_441 = arith.constant 0 : i32
      %dma_start3A_442 = tpu.memref_slice %arg5[%add3A_427, %dma_start3A_440, %dma_start3A_441] : memref<1024x200x64xf32, #tpu.memory_space<hbm>> -> memref<1x200x64xf32, #tpu.memory_space<hbm>>
      %dma_start3A_443 = tpu.memref_squeeze %dma_start3A_442 : memref<1x200x64xf32, #tpu.memory_space<hbm>> -> memref<200x64xf32, #tpu.memory_space<hbm>>
      %dma_start3A_444 = arith.constant 0 : i32
      %dma_start3A_445 = arith.constant 0 : i32
      %dma_start3A_446 = tpu.memref_slice %arg8[%dma_start3A_428, %dma_start3A_444, %dma_start3A_445] : memref<4x200x64xf32, #tpu.memory_space<vmem>> -> memref<1x200x64xf32, #tpu.memory_space<vmem>>
      %dma_start3A_447 = tpu.memref_squeeze %dma_start3A_446 : memref<1x200x64xf32, #tpu.memory_space<vmem>> -> memref<200x64xf32, #tpu.memory_space<vmem>>
      tpu.enqueue_dma source(%dma_start3A_447 : memref<200x64xf32, #tpu.memory_space<vmem>>) target(%dma_start3A_443 : memref<200x64xf32, #tpu.memory_space<hbm>>) target_semaphore(%dma_start3A_439 : memref<!tpu.dma_semaphore, #tpu.memory_space<semaphore_mem>>)
    }
    %scan3A_9 = arith.constant 8 : i32
    %dma_wait3A = arith.constant 0 : i32
    %dma_wait3A_10 = arith.constant 0 : i32
    %dma_wait3A_11 = arith.constant 0 : i32
    %dma_wait3A_12 = arith.constant 0 : i32
    %dma_wait3A_13 = tpu.memref_slice %arg8[%dma_wait3A, %dma_wait3A_11, %dma_wait3A_12] : memref<4x200x64xf32, #tpu.memory_space<vmem>> -> memref<1x200x64xf32, #tpu.memory_space<vmem>>
    %dma_wait3A_14 = tpu.memref_squeeze %dma_wait3A_13 : memref<1x200x64xf32, #tpu.memory_space<vmem>> -> memref<200x64xf32, #tpu.memory_space<vmem>>
    %dma_wait3A_15 = arith.constant 0 : i32
    %dma_wait3A_16 = arith.constant 0 : i32
    %dma_wait3A_17 = tpu.memref_slice %arg5[%mul3A_4, %dma_wait3A_15, %dma_wait3A_16] : memref<1024x200x64xf32, #tpu.memory_space<hbm>> -> memref<1x200x64xf32, #tpu.memory_space<hbm>>
    %dma_wait3A_18 = tpu.memref_squeeze %dma_wait3A_17 : memref<1x200x64xf32, #tpu.memory_space<hbm>> -> memref<200x64xf32, #tpu.memory_space<hbm>>
    %dma_wait3A_19 = tpu.memref_slice %arg10[%dma_wait3A_10] : memref<4x!tpu.dma_semaphore, #tpu.memory_space<semaphore_mem>> -> memref<1x!tpu.dma_semaphore, #tpu.memory_space<semaphore_mem>>
    %dma_wait3A_20 = tpu.memref_squeeze %dma_wait3A_19 : memref<1x!tpu.dma_semaphore, #tpu.memory_space<semaphore_mem>> -> memref<!tpu.dma_semaphore, #tpu.memory_space<semaphore_mem>>
    %dma_wait3A_21 = arith.constant 0 : i32
    %dma_wait3A_22 = arith.constant 0 : i32
    %dma_wait3A_23 = tpu.memref_slice %arg5[%mul3A_4, %dma_wait3A_21, %dma_wait3A_22] : memref<1024x200x64xf32, #tpu.memory_space<hbm>> -> memref<1x200x64xf32, #tpu.memory_space<hbm>>
    %dma_wait3A_24 = tpu.memref_squeeze %dma_wait3A_23 : memref<1x200x64xf32, #tpu.memory_space<hbm>> -> memref<200x64xf32, #tpu.memory_space<hbm>>
    %dma_wait3A_25 = arith.constant 0 : i32
    %dma_wait3A_26 = arith.constant 0 : i32
    %dma_wait3A_27 = tpu.memref_slice %arg8[%dma_wait3A, %dma_wait3A_25, %dma_wait3A_26] : memref<4x200x64xf32, #tpu.memory_space<vmem>> -> memref<1x200x64xf32, #tpu.memory_space<vmem>>
    %dma_wait3A_28 = tpu.memref_squeeze %dma_wait3A_27 : memref<1x200x64xf32, #tpu.memory_space<vmem>> -> memref<200x64xf32, #tpu.memory_space<vmem>>
    tpu.wait_dma2 semaphore(%dma_wait3A_20 : memref<!tpu.dma_semaphore, #tpu.memory_space<semaphore_mem>>) src(%dma_wait3A_28 : memref<200x64xf32, #tpu.memory_space<vmem>>) dst(%dma_wait3A_24 : memref<200x64xf32, #tpu.memory_space<hbm>>)
    %dma_wait3A_29 = arith.constant 1 : i32
    %dma_wait3A_30 = arith.constant 1 : i32
    %dma_wait3A_31 = arith.constant 0 : i32
    %dma_wait3A_32 = arith.constant 0 : i32
    %dma_wait3A_33 = tpu.memref_slice %arg8[%dma_wait3A_29, %dma_wait3A_31, %dma_wait3A_32] : memref<4x200x64xf32, #tpu.memory_space<vmem>> -> memref<1x200x64xf32, #tpu.memory_space<vmem>>
    %dma_wait3A_34 = tpu.memref_squeeze %dma_wait3A_33 : memref<1x200x64xf32, #tpu.memory_space<vmem>> -> memref<200x64xf32, #tpu.memory_space<vmem>>
    %dma_wait3A_35 = arith.constant 0 : i32
    %dma_wait3A_36 = arith.constant 0 : i32
    %dma_wait3A_37 = tpu.memref_slice %arg5[%mul3A_4, %dma_wait3A_35, %dma_wait3A_36] : memref<1024x200x64xf32, #tpu.memory_space<hbm>> -> memref<1x200x64xf32, #tpu.memory_space<hbm>>
    %dma_wait3A_38 = tpu.memref_squeeze %dma_wait3A_37 : memref<1x200x64xf32, #tpu.memory_space<hbm>> -> memref<200x64xf32, #tpu.memory_space<hbm>>
    %dma_wait3A_39 = tpu.memref_slice %arg10[%dma_wait3A_30] : memref<4x!tpu.dma_semaphore, #tpu.memory_space<semaphore_mem>> -> memref<1x!tpu.dma_semaphore, #tpu.memory_space<semaphore_mem>>
    %dma_wait3A_40 = tpu.memref_squeeze %dma_wait3A_39 : memref<1x!tpu.dma_semaphore, #tpu.memory_space<semaphore_mem>> -> memref<!tpu.dma_semaphore, #tpu.memory_space<semaphore_mem>>
    %dma_wait3A_41 = arith.constant 0 : i32
    %dma_wait3A_42 = arith.constant 0 : i32
    %dma_wait3A_43 = tpu.memref_slice %arg5[%mul3A_4, %dma_wait3A_41, %dma_wait3A_42] : memref<1024x200x64xf32, #tpu.memory_space<hbm>> -> memref<1x200x64xf32, #tpu.memory_space<hbm>>
    %dma_wait3A_44 = tpu.memref_squeeze %dma_wait3A_43 : memref<1x200x64xf32, #tpu.memory_space<hbm>> -> memref<200x64xf32, #tpu.memory_space<hbm>>
    %dma_wait3A_45 = arith.constant 0 : i32
    %dma_wait3A_46 = arith.constant 0 : i32
    %dma_wait3A_47 = tpu.memref_slice %arg8[%dma_wait3A_29, %dma_wait3A_45, %dma_wait3A_46] : memref<4x200x64xf32, #tpu.memory_space<vmem>> -> memref<1x200x64xf32, #tpu.memory_space<vmem>>
    %dma_wait3A_48 = tpu.memref_squeeze %dma_wait3A_47 : memref<1x200x64xf32, #tpu.memory_space<vmem>> -> memref<200x64xf32, #tpu.memory_space<vmem>>
    tpu.wait_dma2 semaphore(%dma_wait3A_40 : memref<!tpu.dma_semaphore, #tpu.memory_space<semaphore_mem>>) src(%dma_wait3A_48 : memref<200x64xf32, #tpu.memory_space<vmem>>) dst(%dma_wait3A_44 : memref<200x64xf32, #tpu.memory_space<hbm>>)
    %dma_wait3A_49 = arith.constant 2 : i32
    %dma_wait3A_50 = arith.constant 2 : i32
    %dma_wait3A_51 = arith.constant 0 : i32
    %dma_wait3A_52 = arith.constant 0 : i32
    %dma_wait3A_53 = tpu.memref_slice %arg8[%dma_wait3A_49, %dma_wait3A_51, %dma_wait3A_52] : memref<4x200x64xf32, #tpu.memory_space<vmem>> -> memref<1x200x64xf32, #tpu.memory_space<vmem>>
    %dma_wait3A_54 = tpu.memref_squeeze %dma_wait3A_53 : memref<1x200x64xf32, #tpu.memory_space<vmem>> -> memref<200x64xf32, #tpu.memory_space<vmem>>
    %dma_wait3A_55 = arith.constant 0 : i32
    %dma_wait3A_56 = arith.constant 0 : i32
    %dma_wait3A_57 = tpu.memref_slice %arg5[%mul3A_4, %dma_wait3A_55, %dma_wait3A_56] : memref<1024x200x64xf32, #tpu.memory_space<hbm>> -> memref<1x200x64xf32, #tpu.memory_space<hbm>>
    %dma_wait3A_58 = tpu.memref_squeeze %dma_wait3A_57 : memref<1x200x64xf32, #tpu.memory_space<hbm>> -> memref<200x64xf32, #tpu.memory_space<hbm>>
    %dma_wait3A_59 = tpu.memref_slice %arg10[%dma_wait3A_50] : memref<4x!tpu.dma_semaphore, #tpu.memory_space<semaphore_mem>> -> memref<1x!tpu.dma_semaphore, #tpu.memory_space<semaphore_mem>>
    %dma_wait3A_60 = tpu.memref_squeeze %dma_wait3A_59 : memref<1x!tpu.dma_semaphore, #tpu.memory_space<semaphore_mem>> -> memref<!tpu.dma_semaphore, #tpu.memory_space<semaphore_mem>>
    %dma_wait3A_61 = arith.constant 0 : i32
    %dma_wait3A_62 = arith.constant 0 : i32
    %dma_wait3A_63 = tpu.memref_slice %arg5[%mul3A_4, %dma_wait3A_61, %dma_wait3A_62] : memref<1024x200x64xf32, #tpu.memory_space<hbm>> -> memref<1x200x64xf32, #tpu.memory_space<hbm>>
    %dma_wait3A_64 = tpu.memref_squeeze %dma_wait3A_63 : memref<1x200x64xf32, #tpu.memory_space<hbm>> -> memref<200x64xf32, #tpu.memory_space<hbm>>
    %dma_wait3A_65 = arith.constant 0 : i32
    %dma_wait3A_66 = arith.constant 0 : i32
    %dma_wait3A_67 = tpu.memref_slice %arg8[%dma_wait3A_49, %dma_wait3A_65, %dma_wait3A_66] : memref<4x200x64xf32, #tpu.memory_space<vmem>> -> memref<1x200x64xf32, #tpu.memory_space<vmem>>
    %dma_wait3A_68 = tpu.memref_squeeze %dma_wait3A_67 : memref<1x200x64xf32, #tpu.memory_space<vmem>> -> memref<200x64xf32, #tpu.memory_space<vmem>>
    tpu.wait_dma2 semaphore(%dma_wait3A_60 : memref<!tpu.dma_semaphore, #tpu.memory_space<semaphore_mem>>) src(%dma_wait3A_68 : memref<200x64xf32, #tpu.memory_space<vmem>>) dst(%dma_wait3A_64 : memref<200x64xf32, #tpu.memory_space<hbm>>)
    %dma_wait3A_69 = arith.constant 3 : i32
    %dma_wait3A_70 = arith.constant 3 : i32
    %dma_wait3A_71 = arith.constant 0 : i32
    %dma_wait3A_72 = arith.constant 0 : i32
    %dma_wait3A_73 = tpu.memref_slice %arg8[%dma_wait3A_69, %dma_wait3A_71, %dma_wait3A_72] : memref<4x200x64xf32, #tpu.memory_space<vmem>> -> memref<1x200x64xf32, #tpu.memory_space<vmem>>
    %dma_wait3A_74 = tpu.memref_squeeze %dma_wait3A_73 : memref<1x200x64xf32, #tpu.memory_space<vmem>> -> memref<200x64xf32, #tpu.memory_space<vmem>>
    %dma_wait3A_75 = arith.constant 0 : i32
    %dma_wait3A_76 = arith.constant 0 : i32
    %dma_wait3A_77 = tpu.memref_slice %arg5[%mul3A_4, %dma_wait3A_75, %dma_wait3A_76] : memref<1024x200x64xf32, #tpu.memory_space<hbm>> -> memref<1x200x64xf32, #tpu.memory_space<hbm>>
    %dma_wait3A_78 = tpu.memref_squeeze %dma_wait3A_77 : memref<1x200x64xf32, #tpu.memory_space<hbm>> -> memref<200x64xf32, #tpu.memory_space<hbm>>
    %dma_wait3A_79 = tpu.memref_slice %arg10[%dma_wait3A_70] : memref<4x!tpu.dma_semaphore, #tpu.memory_space<semaphore_mem>> -> memref<1x!tpu.dma_semaphore, #tpu.memory_space<semaphore_mem>>
    %dma_wait3A_80 = tpu.memref_squeeze %dma_wait3A_79 : memref<1x!tpu.dma_semaphore, #tpu.memory_space<semaphore_mem>> -> memref<!tpu.dma_semaphore, #tpu.memory_space<semaphore_mem>>
    %dma_wait3A_81 = arith.constant 0 : i32
    %dma_wait3A_82 = arith.constant 0 : i32
    %dma_wait3A_83 = tpu.memref_slice %arg5[%mul3A_4, %dma_wait3A_81, %dma_wait3A_82] : memref<1024x200x64xf32, #tpu.memory_space<hbm>> -> memref<1x200x64xf32, #tpu.memory_space<hbm>>
    %dma_wait3A_84 = tpu.memref_squeeze %dma_wait3A_83 : memref<1x200x64xf32, #tpu.memory_space<hbm>> -> memref<200x64xf32, #tpu.memory_space<hbm>>
    %dma_wait3A_85 = arith.constant 0 : i32
    %dma_wait3A_86 = arith.constant 0 : i32
    %dma_wait3A_87 = tpu.memref_slice %arg8[%dma_wait3A_69, %dma_wait3A_85, %dma_wait3A_86] : memref<4x200x64xf32, #tpu.memory_space<vmem>> -> memref<1x200x64xf32, #tpu.memory_space<vmem>>
    %dma_wait3A_88 = tpu.memref_squeeze %dma_wait3A_87 : memref<1x200x64xf32, #tpu.memory_space<vmem>> -> memref<200x64xf32, #tpu.memory_space<vmem>>
    tpu.wait_dma2 semaphore(%dma_wait3A_80 : memref<!tpu.dma_semaphore, #tpu.memory_space<semaphore_mem>>) src(%dma_wait3A_88 : memref<200x64xf32, #tpu.memory_space<vmem>>) dst(%dma_wait3A_84 : memref<200x64xf32, #tpu.memory_space<hbm>>)
    return
  }
}

</mosaic_0001>

<sc_bundles>
// kernel: kernel.3.cloned.1.call-start
scs
__scs_entry_jumppad:
0x0: {  	(pc) =	sbr.rel $0x88, $3  }
0x1: {  	(tag) =	ssettag $0x0;
	lr =	simm.s32 $0x1  }
0x2: {  	[smem:$0x3F9E] =	sst lr;
	_ =	strace $0xD0000000  }
0x3: {  	_ = 	snop  }
0x4: {  	_ = 	snop  }
0x5: {  	_ = 	snop  }
0x6: {  	_ = 	snop  }
0x7: {  	_ = 	snop  }
__scs_overlays_trampoline_lowered:
0x8: {  	[smem:$0x3FAD] =	sst s0  }
0x9: {  	[smem:$0x3FAE] =	sst s1  }
0xa: {  	[smem:$0x3FAF] =	sst s2  }
0xb: {  	[smem:$0x3FB0] =	sst s3  }
0xc: {  	[smem:$0x3FB1] =	sst s4  }
0xd: {  	[smem:$0x3FB2] =	sst s5  }
0xe: {  	[smem:$0x3FB3] =	sst s6  }
0xf: {  	[smem:$0x3FB4] =	sst s7  }
0x10: {  	[smem:$0x3FB5] =	sst s8  }
0x11: {  	[smem:$0x3FB6] =	sst s9;
	s0 =	simm.s32 @!p0 $0x0  }
0x12: {  	s1 =	sld [smem:$0x3F9C];
	s0 =	simm.s32 @p0 $0x1  }
0x13: {  	[smem:$0x3FB7] =	sst s0;
	s0 =	simm.s32 @!p1 $0x0  }
0x14: {  	s2 =	sld [smem:$0x3F9B];
	s0 =	simm.s32 @p1 $0x1  }
0x15: {  	[smem:$0x3FB8] =	sst s0;
	s0 =	simm.s32 @!p2 $0x0  }
0x16: {  	s3 =	sld [smem:$0x3FDB];
	s0 =	simm.s32 @p2 $0x1  }
0x17: {  	s4 =	simm.s32 $0x1BF5;
	[smem:$0x3FBA] =	sst s0  }
0x18: {  	s0 =	sld [smem:$0x3F9D];
	_ =	swait.ge [sflag:s4], $0x0  }
0x19: {  	s7 =	sld [smem:$0x3F9E]  }
0x1a: {  	s8 =	sadd.s32 $0xFFFFE003, lr  }
0x1b: {  	s9 =	sadd.s32 $0xFFFFFEF7, lr;
	s5 =	simm.s32 $0xFFFFFFFF;
	p2 =	slt.u32 s8, $0xFFFFF086  }
0x1c: {  	p1 =	slt.u32 s9, $0xF7A;
	s5 =	simm.s32 @!p2 $0x0  }
0x1d: {  	s5 =	simm.s32 @p1 $0x1;
	p0 =	seq.s32 s7, s2  }
0x1e: {  	s7 =	smul.u32 @!p0 $0xF7A, s2;
	p2 =	seq.s32 @!p0 s5, $0x0  }
0x1f: {  	s9 =	smul.u32 $0xF7A, s1;
	s8 =	simm.s32 @!p0 $0x1BF5;
	p2 =	por !p2, p0  }
0x20: {  	[sflag:s8] =	ssyncset.s32 @!p0 $0xFFFFF086;
	s6 =	sadd.s32 @!p0 s3, s7;
	s7 =	simm.s32 @!p0 $0x108  }
0x21: {  	s3 =	sadd.s32 s3, s9;
	s6 =	sadd.s32 @!p0 $0x88, s6;
	s7 =	simm.s32 @p2 $0x1082  }
0x22: {  	[simem:s7], [sflag:s8] =	dma.local @!p0 [hbm:s6], $0xF7A  }
0x23: {  	s9 =	sor.u32 $0xD0000000, s2;
	s6 =	simm.s32 $0x108;
	_ =	swait.ge @!p0 [sflag:s8], $0x0  }
0x24: {  	s3 =	sadd.s32 $0x88, s3;
	s6 =	simm.s32 @!p1 $0x1082;
	[sflag:s4] =	ssyncset.s32 $0xFFFFF086  }
0x25: {  	[simem:s6], [sflag:s4] =	dma.local [hbm:s3], $0xF7A  }
0x26: {  	[smem:$0x3F9E] =	sst s1;
	(tag) =	ssettag s2;
	_ =	strace s9  }
0x27: {  	s1 =	sld [smem:$0x3FAE]  }
0x28: {  	s2 =	sld [smem:$0x3FAF]  }
0x29: {  	s4 =	sld [smem:$0x3FB1]  }
0x2a: {  	p0 =	seq.s32 s5, $0x0;
	s5 =	sld [smem:$0x3FB2]  }
0x2b: {  	s6 =	sld [smem:$0x3FB3]  }
0x2c: {  	s7 =	sld [smem:$0x3FB4]  }
0x2d: {  	s3 =	simm.s32 $0x108;
	s8 =	sld [smem:$0x3FB5]  }
0x2e: {  	s3 =	simm.s32 @!p0 $0x1082;
	s9 =	sld [smem:$0x3FB6]  }
0x2f: {  	lr =	sadd.s32 s0, s3;
	s0 =	sld [smem:$0x3FAD]  }
0x30: {  	s3 =	sld [smem:$0x3FB0]  }
0x31: {  	[smem:$0x3FB9] =	sst s10  }
0x32: {  	s10 =	sld [smem:$0x3FB7];
	_ =	sdelay $0x3  }
0x33: {  	p0 =	seq.s32 s10, $0x1;
	s10 =	sld [smem:$0x3FB9];
	_ =	sdelay $0x3  }
0x34: {  	[smem:$0x3FB9] =	sst s10  }
0x35: {  	s10 =	sld [smem:$0x3FB8];
	_ =	sdelay $0x3  }
0x36: {  	p1 =	seq.s32 s10, $0x1;
	s10 =	sld [smem:$0x3FB9];
	_ =	sdelay $0x3  }
0x37: {  	[smem:$0x3FB9] =	sst s10  }
0x38: {  	s10 =	sld [smem:$0x3FBA]  }
0x39: {  	_ = 	snop;
	(pc) =	sbr.ind lr, $3  }
0x3a: {  	_ = 	snop  }
0x3b: {  	_ = 	snop  }
0x3c: {  	p2 =	seq.s32 s10, $0x1;
	s10 =	sld [smem:$0x3FB9]  }
0x3d: {  	_ =	shalt  }
0x3e: {  	_ =	shalt  }
0x3f: {  	_ =	shalt  }
0x40: {  	_ =	shalt  }
0x41: {  	_ =	shalt  }
0x42: {  	_ =	shalt  }
0x43: {  	_ =	shalt  }
0x44: {  	_ =	shalt  }
0x45: {  	_ =	shalt  }
0x46: {  	_ =	shalt  }
0x47: {  	_ =	shalt  }
0x48: {  	_ =	shalt  }
0x49: {  	_ =	shalt  }
0x4a: {  	_ =	shalt  }
0x4b: {  	_ =	shalt  }
0x4c: {  	_ =	shalt  }
0x4d: {  	_ =	shalt  }
0x4e: {  	_ =	shalt  }
0x4f: {  	_ =	shalt  }
0x50: {  	_ =	shalt  }
0x51: {  	_ =	shalt  }
0x52: {  	_ =	shalt  }
0x53: {  	_ =	shalt  }
0x54: {  	_ =	shalt  }
0x55: {  	_ =	shalt  }
0x56: {  	_ =	shalt  }
0x57: {  	_ =	shalt  }
0x58: {  	_ =	shalt  }
0x59: {  	_ =	shalt  }
0x5a: {  	_ =	shalt  }
0x5b: {  	_ =	shalt  }
0x5c: {  	_ =	shalt  }
0x5d: {  	_ =	shalt  }
0x5e: {  	_ =	shalt  }
0x5f: {  	_ =	shalt  }
0x60: {  	_ =	shalt  }
0x61: {  	_ =	shalt  }
0x62: {  	_ =	shalt  }
0x63: {  	_ =	shalt  }
0x64: {  	_ =	shalt  }
0x65: {  	_ =	shalt  }
0x66: {  	_ =	shalt  }
0x67: {  	_ =	shalt  }
0x68: {  	_ =	shalt  }
0x69: {  	_ =	shalt  }
0x6a: {  	_ =	shalt  }
0x6b: {  	_ =	shalt  }
0x6c: {  	_ =	shalt  }
0x6d: {  	_ =	shalt  }
0x6e: {  	_ =	shalt  }
0x6f: {  	_ =	shalt  }
0x70: {  	_ =	shalt  }
0x71: {  	_ =	shalt  }
0x72: {  	_ =	shalt  }
0x73: {  	_ =	shalt  }
0x74: {  	_ =	shalt  }
0x75: {  	_ =	shalt  }
0x76: {  	_ =	shalt  }
0x77: {  	_ =	shalt  }
0x78: {  	_ =	shalt  }
0x79: {  	_ =	shalt  }
0x7a: {  	_ =	shalt  }
0x7b: {  	_ =	shalt  }
0x7c: {  	_ =	shalt  }
0x7d: {  	_ =	shalt  }
0x7e: {  	_ =	shalt  }
0x7f: {  	_ =	shalt  }
0x80: {  	_ =	shalt  }
0x81: {  	_ =	shalt  }
0x82: {  	_ =	shalt  }
0x83: {  	_ =	shalt  }
0x84: {  	_ =	shalt  }
0x85: {  	_ =	shalt  }
0x86: {  	_ =	shalt  }
0x87: {  	_ =	shalt  }
.Lfunc_end0:
.L_simem_size_0:
called_computation.1_lowered:
.L_overlay_start_0:
0x88: {  	s2 =	sld [smem:$0x3FD9]  }
0x89: {  	s3 =	sld [smem:$0x3FFE];
	_ =	sdelay $0x1  }
0x8a: {  	s1 =	srdreg.scid  }
0x8b: {  	s0 =	sand.u32 $0x1, s1  }
0x8c: {  	s17 =	sshll.u32 s0, $0xA;
	s2 =	sadd.s32 s3, s2  }
0x8d: {  	s2 =	sadd.s32 s2, s17  }
0x8e: {  	[smem:$0x3FC5] =	sst s2  }
0x8f: {  	_ = 	snop  }
0x90: {  	s2 =	sld [smem:$0x3FD0];
	(tm) =	ssettm $0x1  }
0x91: {  	s18 =	sld [smem:$0x3FFB];
	_ =	sdelay $0x3  }
0x92: {  	_ =	strace s18  }
0x93: {  	s3 =	sld [smem:$0x3FFC];
	_ =	sdelay $0x3  }
0x94: {  	_ =	strace s3  }
0x95: {  	s3 =	sld [smem:$0x3FFD];
	_ =	sdelay $0x3  }
0x96: {  	_ =	strace s3  }
0x97: {  	_ =	strace $0x8FFFFFFF  }
0x98: {  	s19 =	sld [smem:$0x3FDB];
	_ =	sdelay $0x1  }
0x99: {  	s4 =	simm.s32 $_scs_section_size  }
0x9a: {  	s5 =	simm.s32 $_size__tile_overlayer_lowered;
	s6 =	simm.s32 $_tile_overlayer_lowered  }
0x9b: {  	s22 =	simm.s32 $0x1BFF;
	s21 =	sshll.u32 s6, $0x1;
	s3 =	sadd.s32 s4, s19  }
0x9c: {  	s7 =	simm.s32 $0x0;
	s20 =	sshll.u32 s5, $0x1;
	s5 =	sadd.s32 s21, s3  }
0x9d: {  	[timem:s7], [sflag:s22] =	dma.local [hbm:s5], s20  }
0x9e: {  	_ =	swait.ge [sflag:s22], s20  }
0x9f: {  	s4 =	ssub.s32 $0x0, s20;
	[sflag:s22] =	ssyncset.done $0x0  }
0xa0: {  	[sflag:s22] =	ssyncadd.s32 s4;
	_ =	sdelay $0x1  }
0xa1: {  	s23 =	simm.s32 $0x1B8B  }
0xa2: {  	_ =	swait.ge [sflag:s23], $0x1  }
0xa3: {  	[sflag:s23] =	ssyncset.done $0x0  }
0xa4: {  	s25 =	simm.s32 $0x1B8E;
	s24 =	sld [smem:$0x3FFE];
	[sflag:s23] =	ssyncadd.s32 $0xFFFFFFFF  }
0xa5: {  	s26 =	simm.s32 $execute0_lowered;
	[smem:$0x3FD2] =	sst s25  }
0xa6: {  	s5 =	sshll.u32 s26, $0x1;
	_ =	strace $0x80000046;
	[dreg:$0x1] =	wrdreg $0xFFFFFFFF  }
0xa7: {  	s28 =	simm.s32 $_size_execute0_lowered;
	s3 =	sadd.s32 s3, s5;
	[dreg:$0x0] =	wrdreg $0x0  }
0xa8: {  	s5 =	sshll.u32 s28, $0x1;
	[dreg:$0x2] =	wrdreg s3  }
0xa9: {  	[dreg:$0x3] =	wrdreg s5  }
0xaa: {  	[dreg:$0x4] =	wrdreg $0xC0  }
0xab: {  	_ =	task [dreg:s7], $0x5FFFF  }
0xac: {  	[dreg:$0x1] =	wrdreg $0xFFFFFFFF  }
0xad: {  	[dreg:$0x0] =	wrdreg $0x60  }
0xae: {  	[dreg:$0x2] =	wrdreg s24  }
0xaf: {  	[dreg:$0x3] =	wrdreg s2  }
0xb0: {  	[dreg:$0x4] =	wrdreg $0x9  }
0xb1: {  	_ =	task.clear_ibuf [dreg:s7], $0x5FFFF;
	_ =	strace $0x90000046  }
0xb2: {  	s29 =	simm.s32 $0x9;
	_ =	strace $0x80000048  }
0xb3: {  	_ =	swait.ge [sflag:s29], $0x1  }
0xb4: {  	[sflag:s29] =	ssyncadd.s32 $0xFFFFFFFF  }
0xb5: {  	_ =	strace $0x90000048  }
0xb6: {  	_ =	sfence  }
0xb7: {  	s30 =	sld [smem:$0x0];
	_ =	sdelay $0x2  }
0xb8: {  	s31 =	sshll.u32 s1, $0xD;
	s1 =	sshrl.u32 s1, $0x2  }
0xb9: {  	s3 =	sand.u32 $0x4000, s31;
	s1 =	sadd.s32 s1, s30  }
0xba: {  	s0 =	sor.u32 s3, s0;
	s1 =	sshll.u32 s1, $0x11  }
0xbb: {  	s0 =	sor.u32 s1, s0  }
0xbc: {  	s0 =	sadd.s32 $0x8F2B, s0  }
0xbd: {  	[sflag:s0] =	ssyncadd.remote.s32 $0x1  }
0xbe: {  	_ =	sfence.sel $0xFFFF  }
0xbf: {  	[dreg:$0x0] =	wrdreg $0xFFFFFFFF;
	(pc) =	sbr.abs _section_cstart, $3  }
0xc0: {  	[dreg:$0x1] =	wrdreg $0xFFFFFFFF  }
0xc1: {  	_ =	task.clear_ibuf [dreg:s7], $0x2FFFF;
	_ =	strace $0x9FFFFFFF  }
0xc2: {  	(tm) =	ssettm $0x7FFFFFFF  }
0xc3: {  	_ =	shalt  }
tec
execute0_lowered:
.L_overlay_start_1:
0x0: {  	(tag) =	ssettag $0x1  }
0x1: {  	s1 =	srdreg.scid;
	s5 =	rddreg [dreg:$0x0]  }
0x2: {  	s0 =	stileid.u32;
	s2 =	rddreg [dreg:$0x1];
	s9 =	simm.s32 $0x9  }
0x3: {  	s10 =	simm.s32 $0x1900;
	s11 =	simm.s32 $0x80;
	s12 =	simm.s32 $0xE100  }
0x4: {  	s13 =	simm.s32 $0x48;
	s14 =	simm.s32 $0x10100;
	s15 =	simm.s32 $0x1  }
0x5: {  	s16 =	simm.s32 $0x4B00;
	s17 =	simm.s32 $0x2;
	s18 =	simm.s32 $0x7D00  }
0x6: {  	s19 =	simm.s32 $0x3;
	s20 =	simm.s32 $0xAF00;
	s21 =	simm.s32 $0x4  }
0x7: {  	s22 =	simm.s32 $0x5;
	s23 =	simm.s32 $0x6;
	s24 =	simm.s32 $0x7  }
0x8: {  	s25 =	simm.s32 $0x8;
	s1 =	sand.u32 $0x1, s1;
	s3 =	sshll.u32 s0, $0x1  }
0x9: {  	s26 =	simm.s32 $0x0;
	s6 =	sor.u32 s1, s3;
	s3 =	simm.s32 $0x0  }
0xa: {  	s1 =	ssub.s32 $0x2, s1;
	s4 =	smul.u32 $0x320, s6;
	[smem:$0x7FF] =	sst s3  }
0xb: {  	s8 =	sshrl.u32 s1, $0x1;
	s6 =	sshll.u32 s6, $0x5;
	_ =	strace $0x80000047  }
0xc: {  	s1 =	ssub.s32 s1, s8;
	s7 =	sadd.s32 s4, s5;
	s4 =	sadd.s32 $0xF43000, s5  }
0xd: {  	s5 =	sadd.s32 $0x7000, s5;
	s8 =	smax.u32 s1, $0x1;
	s7 =	sadd.s32 $0xC00, s7  }
.LBB2_1:
0xe: {  	[tilespmem:s3], [sflag:$0x9] =	stream.linear.gather [hbm4b:s7+s3], $0x1900, $0x38;
	[tilespmem:$0x11300] =	vst v63  }
0xf: {  	_ =	swait.ge [sflag:s9], $0x1900  }
0x10: {  	[sflag:s9] =	ssyncset.done $0x0  }
0x11: {  	[sflag:s9] =	ssyncadd.s32 $0xFFFFE700  }
0x12: {  	[tilespmem:s10], [sflag:$0x9] =	stream.linear.gather [hbm4b:s5+s3], $0x3200, $0x38;
	[tilespmem:$0x11300] =	vst v63  }
0x13: {  	_ =	swait.ge [sflag:s9], $0x3200  }
0x14: {  	[sflag:s9] =	ssyncset.done $0x0  }
0x15: {  	s28 =	simm.s32 $0x0;
	[sflag:s9] =	ssyncadd.s32 $0xFFFFCE00  }
.LBB2_2:
0x16: {  	p0 =	sne.s32 s28, $0x0  }
0x17: {  	s1 =	simm.s32 @p0 $0x5  }
0x18: {  	s29 =	smul.u32 @p0 $0xC80, s28;
	_ =	swait.ge @p0 [sflag:s1], $0x3200  }
0x19: {  	s30 =	simm.s32 @p0 $0x4B00;
	[sflag:s1] =	ssyncset.done @p0 $0x0  }
0x1a: {  	[sflag:s1] =	ssyncadd.s32 @p0 $0xFFFFCE00;
	s1 =	sshra.s32 @p0 s29, $0x2;
	s29 =	simm.s32 @p0 $0x80  }
0x1b: {  	[tilespmem:s30], [sflag:$0x1] =	stream.indirect.gather @p0 [hbm4b:s4+s29], $0x40, s1, s29, $0xb8;
	[tilespmem:$0x11300] =	vst v63  }
0x1c: {  	s31 =	simm.s32 @p0 $0x48;
	s0 =	simm.s32 @p0 $0x6B00;
	s30 =	sadd.s32 @p0 $0x80, s1  }
0x1d: {  	[tilespmem:s0], [sflag:$0x1] =	stream.indirect.gather @p0 [hbm4b:s4+s31], $0x40, s30, s31, $0xb8;
	[tilespmem:$0x11300] =	vst v63  }
0x1e: {  	s0 =	simm.s32 @p0 $0x6  }
0x1f: {  	_ =	swait.ge @p0 [sflag:s0], $0x3200  }
0x20: {  	[sflag:s0] =	ssyncset.done @p0 $0x0  }
0x21: {  	s30 =	simm.s32 @p0 $0x7D00;
	[sflag:s0] =	ssyncadd.s32 @p0 $0xFFFFCE00;
	s0 =	sadd.s32 @p0 $0xC8, s1  }
0x22: {  	[tilespmem:s30], [sflag:$0x2] =	stream.indirect.gather @p0 [hbm4b:s4+s29], $0x40, s0, s29, $0xb8;
	[tilespmem:$0x11300] =	vst v63  }
0x23: {  	s0 =	sadd.s32 @p0 $0x148, s1;
	s30 =	simm.s32 @p0 $0x9D00  }
0x24: {  	[tilespmem:s30], [sflag:$0x2] =	stream.indirect.gather @p0 [hbm4b:s4+s31], $0x40, s0, s31, $0xb8;
	[tilespmem:$0x11300] =	vst v63  }
0x25: {  	s0 =	simm.s32 @p0 $0x7  }
0x26: {  	_ =	swait.ge @p0 [sflag:s0], $0x3200  }
0x27: {  	[sflag:s0] =	ssyncset.done @p0 $0x0  }
0x28: {  	s30 =	simm.s32 @p0 $0xAF00;
	[sflag:s0] =	ssyncadd.s32 @p0 $0xFFFFCE00;
	s0 =	sadd.s32 @p0 $0x190, s1  }
0x29: {  	[tilespmem:s30], [sflag:$0x3] =	stream.indirect.gather @p0 [hbm4b:s4+s29], $0x40, s0, s29, $0xb8;
	[tilespmem:$0x11300] =	vst v63  }
0x2a: {  	s0 =	sadd.s32 @p0 $0x210, s1;
	s29 =	simm.s32 @p0 $0xCF00  }
0x2b: {  	[tilespmem:s29], [sflag:$0x3] =	stream.indirect.gather @p0 [hbm4b:s4+s31], $0x40, s0, s31, $0xb8;
	[tilespmem:$0x11300] =	vst v63  }
0x2c: {  	s0 =	simm.s32 @p0 $0x8  }
0x2d: {  	_ =	swait.ge @p0 [sflag:s0], $0x3200  }
0x2e: {  	s30 =	simm.s32 @!p0 $0x4B00;
	[sflag:s0] =	ssyncset.done @p0 $0x0  }
0x2f: {  	s29 =	simm.s32 @!p0 $0x0;
	[sflag:s0] =	ssyncadd.s32 @p0 $0xFFFFCE00;
	s0 =	simm.s32 @!p0 $0x80  }
0x30: {  	[tilespmem:s30], [sflag:$0x1] =	stream.indirect.gather @!p0 [hbm4b:s4+s0], $0x40, s29, s0, $0xb8;
	[tilespmem:$0x11300] =	vst v63  }
0x31: {  	s29 =	simm.s32 @!p0 $0x48;
	s30 =	simm.s32 @!p0 $0x6B00  }
0x32: {  	[tilespmem:s30], [sflag:$0x1] =	stream.indirect.gather @!p0 [hbm4b:s4+s29], $0x40, s0, s29, $0xb8;
	[tilespmem:$0x11300] =	vst v63  }
0x33: {  	s31 =	simm.s32 @!p0 $0x7D00;
	s30 =	simm.s32 @!p0 $0xC8  }
0x34: {  	[tilespmem:s31], [sflag:$0x2] =	stream.indirect.gather @!p0 [hbm4b:s4+s0], $0x40, s30, s0, $0xb8;
	[tilespmem:$0x11300] =	vst v63  }
0x35: {  	s30 =	simm.s32 @!p0 $0x148;
	s31 =	simm.s32 @!p0 $0x9D00  }
0x36: {  	[tilespmem:s31], [sflag:$0x2] =	stream.indirect.gather @!p0 [hbm4b:s4+s29], $0x40, s30, s29, $0xb8;
	[tilespmem:$0x11300] =	vst v63  }
0x37: {  	s30 =	simm.s32 @!p0 $0x190;
	s31 =	simm.s32 @!p0 $0xAF00  }
0x38: {  	[tilespmem:s31], [sflag:$0x3] =	stream.indirect.gather @!p0 [hbm4b:s4+s0], $0x40, s30, s0, $0xb8;
	[tilespmem:$0x11300] =	vst v63  }
0x39: {  	s1 =	simm.s32 @!p0 $0x0;
	s0 =	simm.s32 @!p0 $0x210;
	s30 =	simm.s32 @!p0 $0xCF00  }
0x3a: {  	[tilespmem:s30], [sflag:$0x3] =	stream.indirect.gather @!p0 [hbm4b:s4+s29], $0x40, s0, s29, $0xb8;
	[tilespmem:$0x11300] =	vst v63  }
0x3b: {  	s0 =	sadd.s32 $0x258, s1  }
0x3c: {  	[tilespmem:s12], [sflag:$0x4] =	stream.indirect.gather [hbm4b:s4+s11], $0x40, s0, s11, $0xb8;
	[tilespmem:$0x11300] =	vst v63  }
0x3d: {  	s1 =	sadd.s32 $0x2D8, s1  }
0x3e: {  	[tilespmem:s14], [sflag:$0x4] =	stream.indirect.gather [hbm4b:s4+s13], $0x40, s1, s13, $0xb8;
	[tilespmem:$0x11300] =	vst v63  }
0x3f: {  	_ =	swait.ge [sflag:s15], $0x2000  }
0x40: {  	[sflag:s15] =	ssyncset.done $0x0  }
0x41: {  	[sflag:s15] =	ssyncadd.s32 $0xFFFFE000  }
0x42: {  	_ =	swait.ge [sflag:s15], $0x1200  }
0x43: {  	[sflag:s15] =	ssyncset.done $0x0  }
0x44: {  	s29 =	simm.s32 $0x0;
	[sflag:s15] =	ssyncadd.s32 $0xFFFFEE00  }
0x45: {  	v1 =	vld [tilespmem:s29+$0x1930]  }
0x46: {  	v2 =	vld [tilespmem:s29+$0x1900]  }
0x47: {  	v3 =	vld [tilespmem:s29+$0x1910]  }
0x48: {  	v0 =	vld [tilespmem:s29+$0x1920];
	_ =	sdelay $0x1  }
0x49: {  	[tilespmem:s29+$0x4B30] =	vst.add.f32.msk $0xffff, v1  }
0x4a: {  	[tilespmem:s29+$0x4B00] =	vst.add.f32.msk $0xffff, v2  }
0x4b: {  	s31 =	simm.s32 $0x40;
	s30 =	sshll.u32 s28, $0x2;
	s1 =	simm.s32 $0x200;
	[tilespmem:s29+$0x4B10] =	vst.add.f32.msk $0xffff, v3  }
.LBB2_3:
0x4c: {  	p0 =	sne.s32 s1, $0xC700;
	v1 =	vld [tilespmem:s31+$0x1930];
	v2 =	vmov v0  }
0x4d: {  	v3 =	vld [tilespmem:s31+$0x1900]  }
0x4e: {  	v4 =	vld [tilespmem:s31+$0x1910]  }
.Ltmp0:
0x4f: {  	v0 =	vld [tilespmem:s31+$0x1920];
	(pc) =	sbr.rel @p0 .LBB2_3-.Ltmp0, $4  }
0x50: {  	[tilespmem:s29+$0x4B20] =	vst.add.f32.msk $0xffff, v2;
	s29 =	smov.u32 s31  }
0x51: {  	[tilespmem:s29+$0x4B30] =	vst.add.f32.msk $0xffff, v1  }
0x52: {  	[tilespmem:s29+$0x4B00] =	vst.add.f32.msk $0xffff, v3  }
0x53: {  	s31 =	sshra.s32 s1, $0x2;
	s1 =	sadd.s32 $0x100, s1;
	[tilespmem:s29+$0x4B10] =	vst.add.f32.msk $0xffff, v4  }
0x54: {  	v1 =	vld [tilespmem:s31+$0x1930]  }
0x55: {  	v2 =	vld [tilespmem:s31+$0x1900]  }
0x56: {  	v3 =	vld [tilespmem:s31+$0x1910]  }
0x57: {  	v4 =	vld [tilespmem:s31+$0x1920]  }
0x58: {  	[tilespmem:s29+$0x4B20] =	vst.add.f32.msk $0xffff, v0  }
0x59: {  	s29 =	sadd.s32 s6, s30;
	[tilespmem:s31+$0x4B30] =	vst.add.f32.msk $0xffff, v1  }
0x5a: {  	s0 =	smul.u32 $0x640, s29;
	[tilespmem:s31+$0x4B00] =	vst.add.f32.msk $0xffff, v2  }
0x5b: {  	[tilespmem:s31+$0x4B10] =	vst.add.f32.msk $0xffff, v3  }
0x5c: {  	s1 =	simm.s32 $0x0;
	s0 =	sadd.s32 s2, s0;
	[tilespmem:s31+$0x4B20] =	vst.add.f32.msk $0xffff, v4  }
0x5d: {  	[hbm4b:s0+s1] =	stream.linear.scatter [tilespmem:s16], [sflag:$0x5], $0x3200, $0x38;
	[tilespmem:$0x11300] =	vst v63  }
0x5e: {  	_ =	swait.ge [sflag:s17], $0x2000  }
0x5f: {  	[sflag:s17] =	ssyncset.done $0x0  }
0x60: {  	[sflag:s17] =	ssyncadd.s32 $0xFFFFE000  }
0x61: {  	_ =	swait.ge [sflag:s17], $0x1200  }
0x62: {  	[sflag:s17] =	ssyncset.done $0x0  }
0x63: {  	s30 =	simm.s32 $0x0;
	[sflag:s17] =	ssyncadd.s32 $0xFFFFEE00  }
0x64: {  	v1 =	vld [tilespmem:s30+$0x1930]  }
0x65: {  	v2 =	vld [tilespmem:s30+$0x1900]  }
0x66: {  	v3 =	vld [tilespmem:s30+$0x1910]  }
0x67: {  	v0 =	vld [tilespmem:s30+$0x1920];
	_ =	sdelay $0x1  }
0x68: {  	[tilespmem:s30+$0x7D30] =	vst.add.f32.msk $0xffff, v1  }
0x69: {  	[tilespmem:s30+$0x7D00] =	vst.add.f32.msk $0xffff, v2  }
0x6a: {  	s31 =	simm.s32 $0x40;
	s1 =	simm.s32 $0x200;
	[tilespmem:s30+$0x7D10] =	vst.add.f32.msk $0xffff, v3  }
.LBB2_5:
0x6b: {  	p0 =	sne.s32 s1, $0xC700;
	v1 =	vld [tilespmem:s31+$0x1930];
	v2 =	vmov v0  }
0x6c: {  	v3 =	vld [tilespmem:s31+$0x1900]  }
0x6d: {  	v4 =	vld [tilespmem:s31+$0x1910]  }
.Ltmp1:
0x6e: {  	v0 =	vld [tilespmem:s31+$0x1920];
	(pc) =	sbr.rel @p0 .LBB2_5-.Ltmp1, $4  }
0x6f: {  	[tilespmem:s30+$0x7D20] =	vst.add.f32.msk $0xffff, v2;
	s30 =	smov.u32 s31  }
0x70: {  	[tilespmem:s30+$0x7D30] =	vst.add.f32.msk $0xffff, v1  }
0x71: {  	[tilespmem:s30+$0x7D00] =	vst.add.f32.msk $0xffff, v3  }
0x72: {  	s31 =	sshra.s32 s1, $0x2;
	s1 =	sadd.s32 $0x100, s1;
	[tilespmem:s30+$0x7D10] =	vst.add.f32.msk $0xffff, v4  }
0x73: {  	v1 =	vld [tilespmem:s31+$0x1930]  }
0x74: {  	v2 =	vld [tilespmem:s31+$0x1900]  }
0x75: {  	v3 =	vld [tilespmem:s31+$0x1910]  }
0x76: {  	v4 =	vld [tilespmem:s31+$0x1920]  }
0x77: {  	[tilespmem:s30+$0x7D20] =	vst.add.f32.msk $0xffff, v0;
	s0 =	smul.u32 $0x3200, s29  }
0x78: {  	[tilespmem:s31+$0x7D30] =	vst.add.f32.msk $0xffff, v1  }
0x79: {  	s0 =	sshrl.u32 s0, $0x3;
	[tilespmem:s31+$0x7D00] =	vst.add.f32.msk $0xffff, v2  }
0x7a: {  	s29 =	sadd.s32 s2, s0;
	[tilespmem:s31+$0x7D10] =	vst.add.f32.msk $0xffff, v3  }
0x7b: {  	s1 =	simm.s32 $0x0;
	s0 =	sadd.s32 $0x640, s29;
	[tilespmem:s31+$0x7D20] =	vst.add.f32.msk $0xffff, v4  }
0x7c: {  	[hbm4b:s0+s1] =	stream.linear.scatter [tilespmem:s18], [sflag:$0x6], $0x3200, $0x38;
	[tilespmem:$0x11300] =	vst v63  }
0x7d: {  	_ =	swait.ge [sflag:s19], $0x2000  }
0x7e: {  	[sflag:s19] =	ssyncset.done $0x0  }
0x7f: {  	[sflag:s19] =	ssyncadd.s32 $0xFFFFE000  }
0x80: {  	_ =	swait.ge [sflag:s19], $0x1200  }
0x81: {  	[sflag:s19] =	ssyncset.done $0x0  }
0x82: {  	s30 =	simm.s32 $0x0;
	[sflag:s19] =	ssyncadd.s32 $0xFFFFEE00  }
0x83: {  	v1 =	vld [tilespmem:s30+$0x1930]  }
0x84: {  	v2 =	vld [tilespmem:s30+$0x1900]  }
0x85: {  	v3 =	vld [tilespmem:s30+$0x1910]  }
0x86: {  	v0 =	vld [tilespmem:s30+$0x1920];
	_ =	sdelay $0x1  }
0x87: {  	[tilespmem:s30+$0xAF30] =	vst.add.f32.msk $0xffff, v1  }
0x88: {  	[tilespmem:s30+$0xAF00] =	vst.add.f32.msk $0xffff, v2  }
0x89: {  	s31 =	simm.s32 $0x40;
	s1 =	simm.s32 $0x200;
	[tilespmem:s30+$0xAF10] =	vst.add.f32.msk $0xffff, v3  }
.LBB2_7:
0x8a: {  	p0 =	sne.s32 s1, $0xC700;
	v1 =	vld [tilespmem:s31+$0x1930];
	v2 =	vmov v0  }
0x8b: {  	v3 =	vld [tilespmem:s31+$0x1900]  }
0x8c: {  	v4 =	vld [tilespmem:s31+$0x1910]  }
.Ltmp2:
0x8d: {  	v0 =	vld [tilespmem:s31+$0x1920];
	(pc) =	sbr.rel @p0 .LBB2_7-.Ltmp2, $4  }
0x8e: {  	[tilespmem:s30+$0xAF20] =	vst.add.f32.msk $0xffff, v2;
	s30 =	smov.u32 s31  }
0x8f: {  	[tilespmem:s30+$0xAF30] =	vst.add.f32.msk $0xffff, v1  }
0x90: {  	[tilespmem:s30+$0xAF00] =	vst.add.f32.msk $0xffff, v3  }
0x91: {  	s31 =	sshra.s32 s1, $0x2;
	s1 =	sadd.s32 $0x100, s1;
	[tilespmem:s30+$0xAF10] =	vst.add.f32.msk $0xffff, v4  }
0x92: {  	v1 =	vld [tilespmem:s31+$0x1930]  }
0x93: {  	v2 =	vld [tilespmem:s31+$0x1900]  }
0x94: {  	v3 =	vld [tilespmem:s31+$0x1910]  }
0x95: {  	v4 =	vld [tilespmem:s31+$0x1920]  }
0x96: {  	[tilespmem:s30+$0xAF20] =	vst.add.f32.msk $0xffff, v0  }
0x97: {  	[tilespmem:s31+$0xAF30] =	vst.add.f32.msk $0xffff, v1  }
0x98: {  	[tilespmem:s31+$0xAF00] =	vst.add.f32.msk $0xffff, v2  }
0x99: {  	[tilespmem:s31+$0xAF10] =	vst.add.f32.msk $0xffff, v3  }
0x9a: {  	s0 =	sadd.s32 $0xC80, s29;
	s1 =	simm.s32 $0x0;
	[tilespmem:s31+$0xAF20] =	vst.add.f32.msk $0xffff, v4  }
0x9b: {  	[hbm4b:s0+s1] =	stream.linear.scatter [tilespmem:s20], [sflag:$0x7], $0x3200, $0x38;
	[tilespmem:$0x11300] =	vst v63  }
0x9c: {  	_ =	swait.ge [sflag:s21], $0x2000  }
0x9d: {  	[sflag:s21] =	ssyncset.done $0x0  }
0x9e: {  	[sflag:s21] =	ssyncadd.s32 $0xFFFFE000  }
0x9f: {  	_ =	swait.ge [sflag:s21], $0x1200  }
0xa0: {  	[sflag:s21] =	ssyncset.done $0x0  }
0xa1: {  	s30 =	simm.s32 $0x0;
	[sflag:s21] =	ssyncadd.s32 $0xFFFFEE00  }
0xa2: {  	v1 =	vld [tilespmem:s30+$0x1930]  }
0xa3: {  	v2 =	vld [tilespmem:s30+$0x1900]  }
0xa4: {  	v3 =	vld [tilespmem:s30+$0x1910]  }
0xa5: {  	v0 =	vld [tilespmem:s30+$0x1920];
	_ =	sdelay $0x1  }
0xa6: {  	[tilespmem:s30+$0xE130] =	vst.add.f32.msk $0xffff, v1  }
0xa7: {  	[tilespmem:s30+$0xE100] =	vst.add.f32.msk $0xffff, v2  }
0xa8: {  	s31 =	simm.s32 $0x40;
	s1 =	simm.s32 $0x200;
	[tilespmem:s30+$0xE110] =	vst.add.f32.msk $0xffff, v3  }
.LBB2_9:
0xa9: {  	p0 =	sne.s32 s1, $0xC700;
	v1 =	vld [tilespmem:s31+$0x1930];
	v2 =	vmov v0  }
0xaa: {  	v3 =	vld [tilespmem:s31+$0x1900]  }
0xab: {  	v4 =	vld [tilespmem:s31+$0x1910]  }
.Ltmp3:
0xac: {  	v0 =	vld [tilespmem:s31+$0x1920];
	(pc) =	sbr.rel @p0 .LBB2_9-.Ltmp3, $4  }
0xad: {  	[tilespmem:s30+$0xE120] =	vst.add.f32.msk $0xffff, v2;
	s30 =	smov.u32 s31  }
0xae: {  	[tilespmem:s30+$0xE130] =	vst.add.f32.msk $0xffff, v1  }
0xaf: {  	[tilespmem:s30+$0xE100] =	vst.add.f32.msk $0xffff, v3  }
0xb0: {  	s31 =	sshra.s32 s1, $0x2;
	s1 =	sadd.s32 $0x100, s1;
	[tilespmem:s30+$0xE110] =	vst.add.f32.msk $0xffff, v4  }
0xb1: {  	v1 =	vld [tilespmem:s31+$0x1930]  }
0xb2: {  	v2 =	vld [tilespmem:s31+$0x1900]  }
0xb3: {  	v3 =	vld [tilespmem:s31+$0x1910]  }
0xb4: {  	v4 =	vld [tilespmem:s31+$0x1920];
	s28 =	sadd.s32 $0x1, s28  }
0xb5: {  	[tilespmem:s30+$0xE120] =	vst.add.f32.msk $0xffff, v0;
	p0 =	sne.s32 s28, $0x8  }
.Ltmp4:
0xb6: {  	[tilespmem:s31+$0xE130] =	vst.add.f32.msk $0xffff, v1;
	(pc) =	sbr.rel @p0 .LBB2_2-.Ltmp4, $4  }
0xb7: {  	[tilespmem:s31+$0xE100] =	vst.add.f32.msk $0xffff, v2  }
0xb8: {  	[tilespmem:s31+$0xE110] =	vst.add.f32.msk $0xffff, v3  }
0xb9: {  	s0 =	sadd.s32 $0x12C0, s29;
	[tilespmem:s31+$0xE120] =	vst.add.f32.msk $0xffff, v4  }
0xba: {  	[hbm4b:s0+s3] =	stream.linear.scatter [tilespmem:s12], [sflag:$0x8], $0x3200, $0x38;
	[tilespmem:$0x11300] =	vst v63  }
0xbb: {  	_ =	swait.ge [sflag:s22], $0x3200  }
0xbc: {  	[sflag:s22] =	ssyncset.done $0x0  }
0xbd: {  	[sflag:s22] =	ssyncadd.s32 $0xFFFFCE00  }
0xbe: {  	_ =	swait.ge [sflag:s23], $0x3200  }
0xbf: {  	[sflag:s23] =	ssyncset.done $0x0  }
0xc0: {  	s26 =	sadd.s32 $0x1, s26;
	[sflag:s23] =	ssyncadd.s32 $0xFFFFCE00  }
0xc1: {  	p0 =	sne.s32 s26, s8;
	_ =	swait.ge [sflag:s24], $0x3200  }
.Ltmp5:
0xc2: {  	[sflag:s24] =	ssyncset.done $0x0;
	(pc) =	sbr.rel @p0 .LBB2_1-.Ltmp5, $4  }
0xc3: {  	[sflag:s24] =	ssyncadd.s32 $0xFFFFCE00  }
0xc4: {  	_ =	swait.ge [sflag:s25], $0x3200  }
0xc5: {  	[sflag:s25] =	ssyncset.done $0x0  }
0xc6: {  	[sflag:s25] =	ssyncadd.s32 $0xFFFFCE00  }
0xc7: {  	_ =	sfence.sel $0x180000  }
0xc8: {  	[bflag:$0x0] =	sbarrier.arrive $0xFFFF  }
0xc9: {  	_ =	strace $0x90000047  }
0xca: {  	s0 =	stileid.u32;
	[bflag:$0x2] =	sbarrier.arrive $0xFFFF  }
0xcb: {  	p0 =	sne.s32 s0, $0x0;
	s0 =	rddreg [dreg:$0x2]  }
0xcc: {  	s0 =	sadd.s32 @!p0 $0x100000, s0  }
0xcd: {  	[sflag:s0] =	ssyncadd.tile.s32 @!p0 $0x1;
	_ =	shalt  }
.Lfunc_end2:
_tile_overlayer_lowered:
.L_overlay_start_2:
0xce: {  	(tag) =	ssettag $0x2  }
0xcf: {  	s0 =	rddreg [dreg:$0x0];
	s2 =	stileid.u32  }
0xd0: {  	s1 =	rddreg [dreg:$0x1];
	p0 =	sne.s32 s2, $0x0  }
0xd1: {  	s3 =	rddreg [dreg:$0x2];
	[bflag:$0x3] =	sbarrier.arrive $0xFFFF;
	s2 =	simm.s32 @!p0 $0x1C09  }
0xd2: {  	[timem:s3], [sflag:s2] =	dma.local @!p0 [hbm:s0], s1  }
0xd3: {  	s0 =	simm.s32 @!p0 $0x9  }
0xd4: {  	_ =	swait.ge @!p0 [sflag:s0], s1  }
0xd5: {  	s1 =	ssub.s32 @!p0 $0x0, s1;
	[sflag:s0] =	ssyncset.done @!p0 $0x0  }
0xd6: {  	[sflag:s0] =	ssyncadd.s32 @!p0 s1  }
0xd7: {  	[bflag:$0x3] =	sbarrier.arrive $0xFFFF  }
0xd8: {  	_ =	shalt  }

// kernel: sparse-core-data-format-call.cloned.1.call-start
scs
called_computation_lowered:
.L_overlay_start_0:
0x0: {  	s2 =	sld [smem:$0x3FD9]  }
0x1: {  	s3 =	sld [smem:$0x3FFE];
	_ =	sdelay $0x1  }
0x2: {  	s1 =	srdreg.scid  }
0x3: {  	s0 =	sand.u32 $0x1, s1  }
0x4: {  	s18 =	sshll.u32 s0, $0xA;
	s2 =	sadd.s32 s3, s2  }
0x5: {  	s2 =	sadd.s32 s2, s18  }
0x6: {  	[smem:$0x3FC5] =	sst s2  }
0x7: {  	_ = 	snop  }
0x8: {  	s2 =	sld [smem:$0x3FD0];
	(tm) =	ssettm $0x1  }
0x9: {  	s19 =	sld [smem:$0x3FFB];
	_ =	sdelay $0x3  }
0xa: {  	_ =	strace s19  }
0xb: {  	s3 =	sld [smem:$0x3FFC];
	_ =	sdelay $0x3  }
0xc: {  	_ =	strace s3  }
0xd: {  	s3 =	sld [smem:$0x3FFD];
	_ =	sdelay $0x3  }
0xe: {  	_ =	strace s3  }
0xf: {  	_ =	strace $0x8FFFFFFF  }
0x10: {  	s20 =	sld [smem:$0x3FDB];
	_ =	sdelay $0x1  }
0x11: {  	s4 =	simm.s32 $_scs_section_size  }
0x12: {  	s5 =	simm.s32 $_size__tile_overlayer_lowered;
	s6 =	simm.s32 $_tile_overlayer_lowered  }
0x13: {  	s23 =	simm.s32 $0x1BFF;
	s22 =	sshll.u32 s6, $0x1;
	s3 =	sadd.s32 s4, s20  }
0x14: {  	s7 =	simm.s32 $0x0;
	s21 =	sshll.u32 s5, $0x1;
	s5 =	sadd.s32 s22, s3  }
0x15: {  	[timem:s7], [sflag:s23] =	dma.local [hbm:s5], s21  }
0x16: {  	_ =	swait.ge [sflag:s23], s21  }
0x17: {  	s4 =	ssub.s32 $0x0, s21;
	[sflag:s23] =	ssyncset.done $0x0  }
0x18: {  	[sflag:s23] =	ssyncadd.s32 s4;
	_ =	sdelay $0x1  }
0x19: {  	s24 =	simm.s32 $0x1B8B  }
0x1a: {  	_ =	swait.ge [sflag:s24], $0x1  }
0x1b: {  	[sflag:s24] =	ssyncset.done $0x0  }
0x1c: {  	s26 =	simm.s32 $0x1B8E;
	s25 =	sld [smem:$0x3FFE];
	[sflag:s24] =	ssyncadd.s32 $0xFFFFFFFF  }
0x1d: {  	s27 =	simm.s32 $execute0_lowered;
	[smem:$0x3FD2] =	sst s26  }
0x1e: {  	s5 =	sshll.u32 s27, $0x1;
	_ =	strace $0x80000049;
	[dreg:$0x1] =	wrdreg $0xFFFFFFFF  }
0x1f: {  	s28 =	simm.s32 $_size_execute0_lowered;
	s3 =	sadd.s32 s3, s5;
	[dreg:$0x0] =	wrdreg $0x0  }
0x20: {  	s5 =	sshll.u32 s28, $0x1;
	[dreg:$0x2] =	wrdreg s3  }
0x21: {  	[dreg:$0x3] =	wrdreg s5  }
0x22: {  	[dreg:$0x4] =	wrdreg $0xC0  }
0x23: {  	_ =	task [dreg:s7], $0x5FFFF  }
0x24: {  	[dreg:$0x1] =	wrdreg $0xFFFFFFFF  }
0x25: {  	[dreg:$0x0] =	wrdreg $0x60  }
0x26: {  	[dreg:$0x2] =	wrdreg s25  }
0x27: {  	[dreg:$0x3] =	wrdreg s2  }
0x28: {  	[dreg:$0x4] =	wrdreg $0x9  }
0x29: {  	_ =	task.clear_ibuf [dreg:s7], $0x5FFFF;
	_ =	strace $0x90000049  }
0x2a: {  	s29 =	simm.s32 $0x9;
	_ =	strace $0x8000004B  }
0x2b: {  	_ =	swait.ge [sflag:s29], $0x1  }
0x2c: {  	[sflag:s29] =	ssyncadd.s32 $0xFFFFFFFF  }
0x2d: {  	_ =	strace $0x9000004B  }
0x2e: {  	_ =	sfence  }
0x2f: {  	s30 =	sld [smem:$0x0];
	_ =	sdelay $0x2  }
0x30: {  	s31 =	sshll.u32 s1, $0xD;
	s1 =	sshrl.u32 s1, $0x2  }
0x31: {  	s3 =	sand.u32 $0x4000, s31;
	s1 =	sadd.s32 s1, s30  }
0x32: {  	s0 =	sor.u32 s3, s0;
	s1 =	sshll.u32 s1, $0x11  }
0x33: {  	s0 =	sor.u32 s1, s0  }
0x34: {  	s0 =	sadd.s32 $0x8F2B, s0  }
0x35: {  	[sflag:s0] =	ssyncadd.remote.s32 $0x1  }
0x36: {  	_ =	sfence.sel $0xFFFF  }
0x37: {  	[dreg:$0x0] =	wrdreg $0xFFFFFFFF;
	(pc) =	sbr.abs _section_cstart, $3  }
0x38: {  	[dreg:$0x1] =	wrdreg $0xFFFFFFFF  }
0x39: {  	_ =	task.clear_ibuf [dreg:s7], $0x2FFFF;
	_ =	strace $0x9FFFFFFF  }
0x3a: {  	(tm) =	ssettm $0x7FFFFFFF  }
0x3b: {  	_ =	shalt  }
tec
execute0_lowered:
.L_overlay_start_1:
0x0: {  	(tag) =	ssettag $0x1  }
0x1: {  	s0 =	stileid.u32;
	s6 =	rddreg [dreg:$0x0]  }
0x2: {  	s2 =	rddreg [dreg:$0x1];
	s5 =	srdreg.scid  }
0x3: {  	s31 =	simm.s32 $0x2;
	s13 =	simm.s32 $0x0;
	s1 =	sshll.u32 s0, $0x7  }
0x4: {  	s14 =	simm.s32 $0x0;
	s12 =	simm.s32 $0x0;
	s3 =	sand.u32 $0x380, s1  }
0x5: {  	s5 =	sshll.u32 s5, $0x4;
	s6 =	sadd.s32 $0xC00, s6;
	s4 =	ssub.s32 $0x400, s3  }
0x6: {  	s1 =	rddreg [dreg:$0x2];
	_ =	strace $0x8000004A;
	s7 =	sand.u32 $0x380, s4  }
0x7: {  	s5 =	sand.u32 $0x10, s5;
	p0 =	sne.s32 s7, $0x0;
	s7 =	simm.s32 $0x1  }
.Ltmp0:
0x8: {  	s8 =	sshrl.u32 s4, $0xA;
	s7 =	simm.s32 @!p0 $0x0;
	(pc) =	sbr.rel .LBB1_1-.Ltmp0, $4  }
0x9: {  	s9 =	sor.u32 s0, s5;
	s4 =	simm.s32 $0x1;
	s30 =	sadd.s32 s7, s8  }
0xa: {  	s11 =	smov.u32 s3;
	[sflag:s4] =	ssyncpa.u1 $0x0;
	s5 =	smul.u32 $0x32, s30  }
0xb: {  	[sflag:s31] =	ssyncpa.u1 $0x0;
	p0 =	por $0x0, $0x0;
	s7 =	sshrl.u32 s9, $0x3  }
0xc: {  	s9 =	simm.s32 $0x2000;
	s10 =	smov.u32 s7;
	s8 =	sor.u32 $0x1, s5  }
.LBB1_4:
0xd: {  	s17 =	sand.u32 $0x1F80, s14;
	s13 =	sshll.u32 s13, $0xD  }
0xe: {  	[tilespmem:s16+$0x810 ss:$0x81] =	vst.msk $0xffff, v2;
	s18 =	sshrl.u32 s14, $0x3;
	s31 =	sand.u32 $0x7, s14;
	s17 =	sadd.s32 s2, s17  }
0xf: {  	[tilespmem:s16+$0x1020 ss:$0x81] =	vst.msk $0xffff, v0;
	s18 =	sand.u32 $0xF, s18;
	s14 =	sshll.u32 s31, $0x12;
	s13 =	sadd.s32 s13, s17  }
0x10: {  	[tilespmem:s16+$0x0 ss:$0x81] =	vst.msk $0xffff, v1;
	s14 =	sor.u32 $0x400, s14;
	s13 =	sadd.s32 s18, s13  }
0x11: {  	[hbm4b:s13+s14] =	stream.strided.scatter [tilespmem:s15], [sflag:$0x2], $0x2000, s9, s14, $0x20;
	[tilespmem:$0x8080] =	vst v63  }
.LBB1_5:
0x12: {  	s15 =	sadd.s32 $0x4, s10  }
0x13: {  	s13 =	sadd.s32 $0x400, s11;
	s17 =	smov.u32 s11;
	p2 =	sgt.s32 s15, $0xC7  }
0x14: {  	s17 =	smov.u32 @p2 s13  }
0x15: {  	s15 =	smov.u32 @p2 s7;
	p2 =	sgt.s32 s17, $0x3FF  }
0x16: {  	s17 =	smov.u32 @p2 s3;
	p2 =	sne.s32 s12, s8  }
.Ltmp1:
0x17: {  	p1 =	slt.u32 s12, $0x2;
	(pc) =	sbr.rel @!p2 .LBB1_6-.Ltmp1, $4  }
0x18: {  	s16 =	simm.s32 @!p1 $0x2  }
0x19: {  	s14 =	smov.u32 s11;
	p0 =	por !p0, !p0;
	_ =	swait.ge @!p1 [sflag:s16], $0x2000  }
0x1a: {  	s13 =	smov.u32 s10;
	[sflag:s16] =	ssyncset.done @!p1 $0x0;
	s10 =	smov.u32 s15  }
0x1b: {  	s12 =	sadd.s32 $0x1, s12;
	[sflag:s16] =	ssyncadd.s32 @!p1 $0xFFFFE000;
	s11 =	smov.u32 s17  }
.LBB1_1:
0x1c: {  	p1 =	sge.u32 s12, s5  }
0x1d: {  	s15 =	sand.u32 @!p1 $0x1FFFFFF, s10  }
0x1e: {  	s16 =	smulhi.u32 @!p1 $0x147AE15, s15;
	_ =	sdelay $0x1  }
0x1f: {  	s16 =	smul.u32 @!p1 $0xC8, s16  }
0x20: {  	s17 =	sxor.u32 @!p1 $0xFFFFFFFF, s12;
	s18 =	smul.u32 @!p1 $0xC80, s11  }
0x21: {  	s31 =	sadd.s32 $0xFFFFFFFF, s12;
	s17 =	sshll.u32 @!p1 s17, $0xD;
	s15 =	ssub.s32 @!p1 s15, s16  }
0x22: {  	s16 =	sand.u32 @!p1 $0x2000, s17;
	s17 =	sadd.s32 @!p1 s6, s18;
	s15 =	sshll.u32 @!p1 s15, $0x4  }
0x23: {  	s18 =	simm.s32 @!p1 $0x6400;
	s15 =	sadd.s32 @!p1 s15, s17;
	s17 =	simm.s32 @!p1 $0x40  }
0x24: {  	[tilespmem:s16], [sflag:$0x1] =	stream.strided.gather @!p1 [hbm4b:s15+s17], $0x2000, s18, s17, $0x38;
	[tilespmem:$0x8080] =	vst v63  }
0x25: {  	p1 =	sge.u32 s31, s5  }
.Ltmp2:
0x26: {  	_ = 	snop;
	(pc) =	sbr.rel @p1 .LBB1_5-.Ltmp2, $1  }
0x27: {  	_ =	sdelay $0x3  }
0x28: {  	s15 =	simm.s32 $0x1  }
0x29: {  	_ =	swait.ge [sflag:s4], $0x2000;
	s15 =	simm.s32 @!p0 $0x0  }
0x2a: {  	[sflag:s4] =	ssyncset.done $0x0;
	s16 =	sshll.u32 s15, $0xD  }
0x2b: {  	[sflag:s4] =	ssyncadd.s32 $0xFFFFE000;
	s19 =	sor.u32 $0x20, s16  }
0x2c: {  	s15 =	smul.u32 $0x8100, s15;
	v3 =	vld [tilespmem:s19+$0x10]  }
0x2d: {  	s30 =	sand.u32 $0x1, s12;
	v2 =	vld [tilespmem:s19+$0xFFFFFFF0]  }
0x2e: {  	s16 =	smul.u32 $0x8100, s30;
	s15 =	sshrl.u32 s15, $0x2;
	v0 =	vld [tilespmem:s19+$0x0]  }
0x2f: {  	v1 =	vld [tilespmem:s19+$0xFFFFFFE0];
	s17 =	sor.u32 $0x4000, s15  }
0x30: {  	s31 =	sshrl.u32 s16, $0x2;
	s16 =	sadd.s32 $0x0, s17  }
0x31: {  	s18 =	simm.s32 $0x4;
	s19 =	sadd.s32 $0x40, s19;
	s15 =	sor.u32 $0x4000, s31;
	[tilespmem:s16+$0x1830 ss:$0x81] =	vst.msk $0xffff, v3  }
.LBB1_3:
0x32: {  	v3 =	vld [tilespmem:s19+$0x10];
	p1 =	sne.s32 s18, $0x1FC;
	[tilespmem:s16+$0x810 ss:$0x81] =	vst.msk $0xffff, v2;
	s20 =	smov.u32 s18;
	s18 =	sadd.s32 $0x4, s18  }
.Ltmp3:
0x33: {  	v2 =	vld [tilespmem:s19+$0xFFFFFFF0];
	[tilespmem:s16+$0x1020 ss:$0x81] =	vst.msk $0xffff, v0;
	(pc) =	sbr.rel @p1 .LBB1_3-.Ltmp3, $4  }
0x34: {  	v0 =	vld [tilespmem:s19+$0x0];
	[tilespmem:s16+$0x0 ss:$0x81] =	vst.msk $0xffff, v1  }
0x35: {  	s16 =	sshra.s32 s20, $0x2;
	v1 =	vld [tilespmem:s19+$0xFFFFFFE0]  }
0x36: {  	s16 =	sadd.s32 s16, s17  }
0x37: {  	s19 =	sadd.s32 $0x40, s19;
	[tilespmem:s16+$0x1830 ss:$0x81] =	vst.msk $0xffff, v3  }
.Ltmp4:
0x38: {  	_ = 	snop;
	(pc) =	sbr.rel .LBB1_4-.Ltmp4, $1  }
0x39: {  	_ =	sdelay $0x3  }
.LBB1_6:
0x3a: {  	_ =	sfence.sel $0x180000  }
0x3b: {  	s2 =	simm.s32 $0x1;
	[bflag:$0x0] =	sbarrier.arrive $0xFFFF  }
0x3c: {  	s31 =	simm.s32 $0x2;
	[sflag:s2] =	ssyncpa.u1 $0x1  }
0x3d: {  	[sflag:s31] =	ssyncpa.u1 $0x1  }
0x3e: {  	p0 =	sne.s32 s0, $0x0;
	_ =	strace $0x9000004A  }
0x3f: {  	s0 =	sadd.s32 @!p0 $0x100000, s1;
	[bflag:$0x2] =	sbarrier.arrive $0xFFFF  }
0x40: {  	[sflag:s0] =	ssyncadd.tile.s32 @!p0 $0x1;
	_ =	shalt  }
.Lfunc_end1:
_tile_overlayer_lowered:
.L_overlay_start_2:
0x41: {  	(tag) =	ssettag $0x2  }
0x42: {  	s0 =	rddreg [dreg:$0x0];
	s2 =	stileid.u32  }
0x43: {  	s1 =	rddreg [dreg:$0x1];
	p0 =	sne.s32 s2, $0x0  }
0x44: {  	s3 =	rddreg [dreg:$0x2];
	[bflag:$0x3] =	sbarrier.arrive $0xFFFF;
	s2 =	simm.s32 @!p0 $0x1C01  }
0x45: {  	[timem:s3], [sflag:s2] =	dma.local @!p0 [hbm:s0], s1  }
0x46: {  	s0 =	simm.s32 @!p0 $0x1  }
0x47: {  	_ =	swait.ge @!p0 [sflag:s0], s1  }
0x48: {  	s1 =	ssub.s32 @!p0 $0x0, s1;
	[sflag:s0] =	ssyncset.done @!p0 $0x0  }
0x49: {  	[sflag:s0] =	ssyncadd.s32 @!p0 s1  }
0x4a: {  	[bflag:$0x3] =	sbarrier.arrive $0xFFFF  }
0x4b: {  	_ =	shalt  }

</sc_bundles>
